<compile_context>
chip_gen: v7x
topology: tpu7x:2x2x1
jax: 0.10.2.dev20260603
libtpu: 0.0.44.dev20260713+nightly
codegen_flags: <defaults>
</compile_context>

<pallas_src>
import jax
import jax.numpy as jnp
from jax import lax
from jax.experimental import pallas as pl
from jax.experimental.pallas import tpu as pltpu
from jax.experimental.pallas import tpu_sc as plsc

B = 16384
NHALF = 2
BH = B // NHALF
NW = 32
ROWS_PER_W = BH // NW
CHUNK = 128
DG = 32
DM = 128

_HI = -65536


def _pack_ops(t):
    h = t.shape[1] // 2
    lo = lax.bitcast_convert_type(t[:, :h].astype(jnp.bfloat16), jnp.uint16)
    hi = lax.bitcast_convert_type(t[:, h:].astype(jnp.bfloat16), jnp.uint16)
    return lax.bitcast_convert_type(
        lo.astype(jnp.uint32) | (hi.astype(jnp.uint32) << 16), jnp.int32)


def _pack_body(eu, ei, eu_out, ei_out):
    eu_out[...] = _pack_ops(eu[...])
    ei_out[...] = _pack_ops(ei[...])


def _pack_call(eu_mlp, ei_mlp):
    return pl.pallas_call(
        _pack_body,
        out_shape=[
            jax.ShapeDtypeStruct((eu_mlp.shape[0], DM), jnp.int32),
            jax.ShapeDtypeStruct((ei_mlp.shape[0], DM), jnp.int32),
        ],
    )(eu_mlp, ei_mlp)


def _sc_gather_body(uidx, sidx, eug, eum, eig, eim,
                    ug_out, um_out, ig_out, im_out,
                    idx_u, idx_s, r_ug, r_um, r_ig, r_im, sem):
    wid = lax.axis_index("s") * 2 + lax.axis_index("c")
    base = wid * ROWS_PER_W
    for k in range(ROWS_PER_W // CHUNK):
        off = base + k * CHUNK
        pltpu.sync_copy(uidx.at[pl.ds(off, CHUNK)], idx_u)
        pltpu.sync_copy(sidx.at[pl.ds(off, CHUNK)], idx_s)
        h1 = pltpu.async_copy(eug.at[idx_u], r_ug, sem)
        h2 = pltpu.async_copy(eum.at[idx_u], r_um, sem)
        h3 = pltpu.async_copy(eig.at[idx_s], r_ig, sem)
        h4 = pltpu.async_copy(eim.at[idx_s], r_im, sem)
        h1.wait()
        h2.wait()
        h3.wait()
        h4.wait()
        pltpu.sync_copy(r_ug, ug_out.at[pl.ds(off, CHUNK)])
        pltpu.sync_copy(r_um, um_out.at[pl.ds(off, CHUNK)])
        pltpu.sync_copy(r_ig, ig_out.at[pl.ds(off, CHUNK)])
        pltpu.sync_copy(r_im, im_out.at[pl.ds(off, CHUNK)])


_sc_gather = pl.kernel(
    _sc_gather_body,
    mesh=plsc.VectorSubcoreMesh(core_axis_name="c", subcore_axis_name="s"),
    out_type=[
        jax.ShapeDtypeStruct((BH, DM), jnp.int32),
        jax.ShapeDtypeStruct((BH, DM), jnp.int32),
        jax.ShapeDtypeStruct((BH, DM), jnp.int32),
        jax.ShapeDtypeStruct((BH, DM), jnp.int32),
    ],
    scratch_types=[
        pltpu.VMEM((CHUNK,), jnp.int32),
        pltpu.VMEM((CHUNK,), jnp.int32),
        pltpu.VMEM((CHUNK, DM), jnp.int32),
        pltpu.VMEM((CHUNK, DM), jnp.int32),
        pltpu.VMEM((CHUNK, DM), jnp.int32),
        pltpu.VMEM((CHUNK, DM), jnp.int32),
        pltpu.SemaphoreType.DMA,
    ],
    compiler_params=pltpu.CompilerParams(use_tc_tiling_on_sc=True),
)


BBLK = 2048


def _unpack(p):
    even = lax.bitcast_convert_type(p << 16, jnp.float32)
    odd = lax.bitcast_convert_type(p & _HI, jnp.float32)
    return even, odd


def _tc_body(ug, um, ig, im, w1ae, w1ao, w1be, w1bo, b1, w2, b2, w3, b3,
             wpae, wpao, wpb, bp, out):
    f32 = jnp.float32
    ume, umo = _unpack(um[...])
    ime, imo = _unpack(im[...])
    h = jnp.dot(ume, w1ae[...], preferred_element_type=f32)
    h += jnp.dot(umo, w1ao[...], preferred_element_type=f32)
    h += jnp.dot(ime, w1be[...], preferred_element_type=f32)
    h += jnp.dot(imo, w1bo[...], preferred_element_type=f32)
    h = jnp.maximum(h + b1[...], 0.0)
    h = jnp.maximum(jnp.dot(h, w2[...], preferred_element_type=f32) + b2[...], 0.0)
    h3 = jnp.maximum(jnp.dot(h, w3[...], preferred_element_type=f32) + b3[...], 0.0)
    uge, ugo = _unpack(ug[:, :DG])
    ige, igo = _unpack(ig[:, :DG])
    pred = (jnp.sum(uge * ige * wpae[...], axis=-1, keepdims=True)
            + jnp.sum(ugo * igo * wpao[...], axis=-1, keepdims=True)
            + jnp.sum(h3 * wpb[...], axis=-1, keepdims=True)
            + bp[0, 0])
    out[...] = pred


def _tc_call(ug, um, ig, im, w1ae, w1ao, w1be, w1bo, b1, w2, b2, w3, b3,
             wpae, wpao, wpb, bp):
    nblk = BH // BBLK
    row = lambda i: (i, 0)
    rep = lambda i: (0, 0)
    return pl.pallas_call(
        _tc_body,
        grid=(nblk,),
        in_specs=[
            pl.BlockSpec((BBLK, DM), row),
            pl.BlockSpec((BBLK, DM), row),
            pl.BlockSpec((BBLK, DM), row),
            pl.BlockSpec((BBLK, DM), row),
            pl.BlockSpec((128, 256), rep),
            pl.BlockSpec((128, 256), rep),
            pl.BlockSpec((128, 256), rep),
            pl.BlockSpec((128, 256), rep),
            pl.BlockSpec((1, 256), rep),
            pl.BlockSpec((256, 128), rep),
            pl.BlockSpec((1, 128), rep),
            pl.BlockSpec((128, 64), rep),
            pl.BlockSpec((1, 64), rep),
            pl.BlockSpec((1, 32), rep),
            pl.BlockSpec((1, 32), rep),
            pl.BlockSpec((1, 64), rep),
            pl.BlockSpec((1, 1), rep),
        ],
        out_specs=pl.BlockSpec((BBLK, 1), row),
        out_shape=jax.ShapeDtypeStruct((BH, 1), jnp.float32),
        compiler_params=pltpu.CompilerParams(
            dimension_semantics=("parallel",)),
    )(ug, um, ig, im, w1ae, w1ao, w1be, w1bo, b1, w2, b2, w3, b3,
      wpae, wpao, wpb, bp)


def kernel(userIdx, servIdx, eu_gmf, eu_mlp, ei_gmf, ei_mlp,
           W1, b1, W2, b2, W3, b3, Wp, bp):
    uidx = userIdx.astype(jnp.int32)
    sidx = servIdx.astype(jnp.int32)

    def pad128(t):
        return jnp.pad(t, ((0, 0), (0, DM - t.shape[1])))

    eum_p, eim_p = _pack_call(eu_mlp, ei_mlp)
    eug_p = pad128(_pack_ops(eu_gmf))
    eig_p = pad128(_pack_ops(ei_gmf))
    w1a, w1b = W1[:256], W1[256:]
    wp = Wp[:, 0]
    weights = (w1a[:128], w1a[128:], w1b[:128], w1b[128:],
               b1.reshape(1, 256), W2, b2.reshape(1, 128), W3,
               b3.reshape(1, 64),
               wp[0:32].reshape(1, 32), wp[32:64].reshape(1, 32),
               wp[64:128].reshape(1, 64),
               bp.reshape(1, 1))
    outs = []
    for k in range(NHALF):
        ug, um, ig, im = _sc_gather(uidx[k * BH:(k + 1) * BH],
                                    sidx[k * BH:(k + 1) * BH],
                                    eug_p, eum_p, eig_p, eim_p)
        outs.append(_tc_call(ug, um, ig, im, *weights))
    return jnp.concatenate(outs, axis=0).reshape(-1)

# --- scband reference (transcript-rebuilt; emitter-appended) ---
"""Pipeline reference for scband-neu-cf-25125558681907 (READ-ONLY COPY).

The authoritative reference and input builder live on the scoring server;
editing this copy changes nothing except your own understanding.
"""

import jax, jax.numpy as jnp
import numpy as np

RANK = 64
NUM_LAYERS = 3
DIM_GMF = RANK
DIM_MLP = RANK * 2 ** (NUM_LAYERS - 1)  # 256
B = 16384


def setup_inputs(seed: int = 0) -> dict:
    key = jax.random.key(seed)
    ks = jax.random.split(key, 16)
    userIdx = jax.random.randint(ks[0], (B,), 0, 339, dtype=jnp.int64)
    servIdx = jax.random.randint(ks[1], (B,), 0, 5825, dtype=jnp.int64)
    eu_gmf = jax.random.normal(ks[2], (339, DIM_GMF), dtype=jnp.float32) * 0.05
    eu_mlp = jax.random.normal(ks[3], (399, DIM_MLP), dtype=jnp.float32) * 0.05
    ei_gmf = jax.random.normal(ks[4], (5825, DIM_GMF), dtype=jnp.float32) * 0.05
    ei_mlp = jax.random.normal(ks[5], (5825, DIM_MLP), dtype=jnp.float32) * 0.05
    # MLP layers: input sizes 512 -> 256 -> 128 -> 64 (stored [in, out])
    W1 = jax.random.normal(ks[6], (512, 256), dtype=jnp.float32) * (1.0 / np.sqrt(512))
    b1 = jnp.zeros((256,), dtype=jnp.float32)
    W2 = jax.random.normal(ks[7], (256, 128), dtype=jnp.float32) * (1.0 / np.sqrt(256))
    b2 = jnp.zeros((128,), dtype=jnp.float32)
    W3 = jax.random.normal(ks[8], (128, 64), dtype=jnp.float32) * (1.0 / np.sqrt(128))
    b3 = jnp.zeros((64,), dtype=jnp.float32)
    Wp = jax.random.normal(ks[9], (RANK * 2, 1), dtype=jnp.float32) * (1.0 / np.sqrt(RANK * 2))
    bp = jnp.zeros((1,), dtype=jnp.float32)
    return {"userIdx": userIdx, "servIdx": servIdx,
            "eu_gmf": eu_gmf, "eu_mlp": eu_mlp, "ei_gmf": ei_gmf, "ei_mlp": ei_mlp,
            "W1": W1, "b1": b1, "W2": W2, "b2": b2, "W3": W3, "b3": b3,
            "Wp": Wp, "bp": bp}


def reference(userIdx, servIdx, eu_gmf, eu_mlp, ei_gmf, ei_mlp,
              W1, b1, W2, b2, W3, b3, Wp, bp):
    # Embedding gathers
    user_embed = jnp.take(eu_gmf, userIdx, axis=0)
    embed_user_MLP = jnp.take(eu_mlp, userIdx, axis=0)
    item_embed = jnp.take(ei_gmf, servIdx, axis=0)
    embed_item_MLP = jnp.take(ei_mlp, servIdx, axis=0)
    # GMF branch
    gmf_output = user_embed * item_embed
    # MLP branch (dropout is identity at inference)
    h = jnp.concatenate((embed_user_MLP, embed_item_MLP), axis=-1)
    h = jax.nn.relu(h @ W1 + b1)
    h = jax.nn.relu(h @ W2 + b2)
    h = jax.nn.relu(h @ W3 + b3)
    pred = jnp.concatenate((gmf_output, h), axis=-1) @ Wp + bp
    return pred.reshape(-1)

if __name__ == "__main__":
    import jax
    _d = setup_inputs()
    print(jax.jit(kernel)(*tuple(_d.values())))

</pallas_src>

<mosaic_0001>
#map = affine_map<(d0, d1) -> (0)>
#map1 = affine_map<(d0, d1) -> (0, 0)>
module attributes {stable_mosaic.version = 14 : i64} {
  func.func @_sc_gather_body(%arg0: i32, %arg1: i32, %arg2: memref<8192xi32, #tpu.memory_space<hbm>>, %arg3: memref<8192xi32, #tpu.memory_space<hbm>>, %arg4: memref<339x128xi32, #tpu.memory_space<hbm>>, %arg5: memref<399x128xi32, #tpu.memory_space<hbm>>, %arg6: memref<5825x128xi32, #tpu.memory_space<hbm>>, %arg7: memref<5825x128xi32, #tpu.memory_space<hbm>>, %arg8: memref<8192x128xi32, #tpu.memory_space<hbm>>, %arg9: memref<8192x128xi32, #tpu.memory_space<hbm>>, %arg10: memref<8192x128xi32, #tpu.memory_space<hbm>>, %arg11: memref<8192x128xi32, #tpu.memory_space<hbm>>, %arg12: memref<128xi32, #tpu.memory_space<vmem>>, %arg13: memref<128xi32, #tpu.memory_space<vmem>>, %arg14: memref<128x128xi32, #tpu.memory_space<vmem>>, %arg15: memref<128x128xi32, #tpu.memory_space<vmem>>, %arg16: memref<128x128xi32, #tpu.memory_space<vmem>>, %arg17: memref<128x128xi32, #tpu.memory_space<vmem>>, %arg18: memref<!tpu.dma_semaphore, #tpu.memory_space<semaphore_mem>>) attributes {dimension_semantics = [#tpu.dimension_semantics<core_parallel>, #tpu.dimension_semantics<subcore_parallel>], iteration_bounds = array<i64: 2, 16>, scalar_prefetch = 0 : i64, scratch_operands = 7 : i64, tpu.core_type = #tpu.core_type<sc_vector_subcore>, window_params = [{transform_indices = #map}, {transform_indices = #map}, {transform_indices = #map1}, {transform_indices = #map1}, {transform_indices = #map1}, {transform_indices = #map1}, {transform_indices = #map1}, {transform_indices = #map1}, {transform_indices = #map1}, {transform_indices = #map1}]} {
    %mul3A = arith.constant 2 : i32
    %mul3A_0 = arith.muli %arg1, %mul3A : i32
    %add3A = arith.addi %mul3A_0, %arg0 : i32
    %mul3A_1 = arith.constant 256 : i32
    %mul3A_2 = arith.muli %add3A, %mul3A_1 : i32
    %add3A_3 = arith.constant 0 : i32
    %add3A_4 = arith.addi %mul3A_2, %add3A_3 : i32
    "tpu.region"() ({
      %run_scoped3A = tpu.sem_alloc : memref<!tpu.dma_semaphore, #tpu.memory_space<semaphore_mem>>
      %dma_start3A_53 = tpu.memref_slice %arg2[%add3A_4] : memref<8192xi32, #tpu.memory_space<hbm>> -> memref<128xi32, #tpu.memory_space<hbm>>
      %dma_start3A_54 = tpu.memref_slice %arg2[%add3A_4] : memref<8192xi32, #tpu.memory_space<hbm>> -> memref<128xi32, #tpu.memory_space<hbm>>
      tpu.enqueue_dma source(%dma_start3A_54 : memref<128xi32, #tpu.memory_space<hbm>>) target(%arg12 : memref<128xi32, #tpu.memory_space<vmem>>) target_semaphore(%run_scoped3A : memref<!tpu.dma_semaphore, #tpu.memory_space<semaphore_mem>>)
      %dma_wait3A_55 = tpu.memref_slice %arg2[%add3A_4] : memref<8192xi32, #tpu.memory_space<hbm>> -> memref<128xi32, #tpu.memory_space<hbm>>
      %dma_wait3A_56 = tpu.memref_slice %arg2[%add3A_4] : memref<8192xi32, #tpu.memory_space<hbm>> -> memref<128xi32, #tpu.memory_space<hbm>>
      tpu.wait_dma2 semaphore(%run_scoped3A : memref<!tpu.dma_semaphore, #tpu.memory_space<semaphore_mem>>) src(%dma_wait3A_56 : memref<128xi32, #tpu.memory_space<hbm>>) dst(%arg12 : memref<128xi32, #tpu.memory_space<vmem>>)
      tpu.yield
    }) : () -> ()
    "tpu.region"() ({
      %run_scoped3A = tpu.sem_alloc : memref<!tpu.dma_semaphore, #tpu.memory_space<semaphore_mem>>
      %dma_start3A_53 = tpu.memref_slice %arg3[%add3A_4] : memref<8192xi32, #tpu.memory_space<hbm>> -> memref<128xi32, #tpu.memory_space<hbm>>
      %dma_start3A_54 = tpu.memref_slice %arg3[%add3A_4] : memref<8192xi32, #tpu.memory_space<hbm>> -> memref<128xi32, #tpu.memory_space<hbm>>
      tpu.enqueue_dma source(%dma_start3A_54 : memref<128xi32, #tpu.memory_space<hbm>>) target(%arg13 : memref<128xi32, #tpu.memory_space<vmem>>) target_semaphore(%run_scoped3A : memref<!tpu.dma_semaphore, #tpu.memory_space<semaphore_mem>>)
      %dma_wait3A_55 = tpu.memref_slice %arg3[%add3A_4] : memref<8192xi32, #tpu.memory_space<hbm>> -> memref<128xi32, #tpu.memory_space<hbm>>
      %dma_wait3A_56 = tpu.memref_slice %arg3[%add3A_4] : memref<8192xi32, #tpu.memory_space<hbm>> -> memref<128xi32, #tpu.memory_space<hbm>>
      tpu.wait_dma2 semaphore(%run_scoped3A : memref<!tpu.dma_semaphore, #tpu.memory_space<semaphore_mem>>) src(%dma_wait3A_56 : memref<128xi32, #tpu.memory_space<hbm>>) dst(%arg13 : memref<128xi32, #tpu.memory_space<vmem>>)
      tpu.yield
    }) : () -> ()
    %dma_start3A = arith.constant 0 : i32
    %dma_start3A_5 = arith.constant 0 : i32
    %dma_start3A_6 = tpu.memref_slice %arg4[%dma_start3A, %dma_start3A_5] : memref<339x128xi32, #tpu.memory_space<hbm>> -> memref<339x128xi32, #tpu.memory_space<hbm>>
    tpu.enqueue_indirect_dma source(%dma_start3A_6 : memref<339x128xi32, #tpu.memory_space<hbm>>) target(%arg14 : memref<128x128xi32, #tpu.memory_space<vmem>>) offsets(%arg12 : memref<128xi32, #tpu.memory_space<vmem>>) semaphore(%arg18 : memref<!tpu.dma_semaphore, #tpu.memory_space<semaphore_mem>>)
    %dma_start3A_7 = arith.constant 0 : i32
    %dma_start3A_8 = arith.constant 0 : i32
    %dma_start3A_9 = tpu.memref_slice %arg5[%dma_start3A_7, %dma_start3A_8] : memref<399x128xi32, #tpu.memory_space<hbm>> -> memref<399x128xi32, #tpu.memory_space<hbm>>
    tpu.enqueue_indirect_dma source(%dma_start3A_9 : memref<399x128xi32, #tpu.memory_space<hbm>>) target(%arg15 : memref<128x128xi32, #tpu.memory_space<vmem>>) offsets(%arg12 : memref<128xi32, #tpu.memory_space<vmem>>) semaphore(%arg18 : memref<!tpu.dma_semaphore, #tpu.memory_space<semaphore_mem>>)
    %dma_start3A_10 = arith.constant 0 : i32
    %dma_start3A_11 = arith.constant 0 : i32
    %dma_start3A_12 = tpu.memref_slice %arg6[%dma_start3A_10, %dma_start3A_11] : memref<5825x128xi32, #tpu.memory_space<hbm>> -> memref<5825x128xi32, #tpu.memory_space<hbm>>
    tpu.enqueue_indirect_dma source(%dma_start3A_12 : memref<5825x128xi32, #tpu.memory_space<hbm>>) target(%arg16 : memref<128x128xi32, #tpu.memory_space<vmem>>) offsets(%arg13 : memref<128xi32, #tpu.memory_space<vmem>>) semaphore(%arg18 : memref<!tpu.dma_semaphore, #tpu.memory_space<semaphore_mem>>)
    %dma_start3A_13 = arith.constant 0 : i32
    %dma_start3A_14 = arith.constant 0 : i32
    %dma_start3A_15 = tpu.memref_slice %arg7[%dma_start3A_13, %dma_start3A_14] : memref<5825x128xi32, #tpu.memory_space<hbm>> -> memref<5825x128xi32, #tpu.memory_space<hbm>>
    tpu.enqueue_indirect_dma source(%dma_start3A_15 : memref<5825x128xi32, #tpu.memory_space<hbm>>) target(%arg17 : memref<128x128xi32, #tpu.memory_space<vmem>>) offsets(%arg13 : memref<128xi32, #tpu.memory_space<vmem>>) semaphore(%arg18 : memref<!tpu.dma_semaphore, #tpu.memory_space<semaphore_mem>>)
    %dma_wait3A = arith.constant 0 : i32
    %dma_wait3A_16 = arith.constant 0 : i32
    %dma_wait3A_17 = tpu.memref_slice %arg4[%dma_wait3A, %dma_wait3A_16] : memref<339x128xi32, #tpu.memory_space<hbm>> -> memref<339x128xi32, #tpu.memory_space<hbm>>
    tpu.wait_indirect_dma semaphore(%arg18 : memref<!tpu.dma_semaphore, #tpu.memory_space<semaphore_mem>>) src(%dma_wait3A_17 : memref<339x128xi32, #tpu.memory_space<hbm>>) dst(%arg14 : memref<128x128xi32, #tpu.memory_space<vmem>>)
    %dma_wait3A_18 = arith.constant 0 : i32
    %dma_wait3A_19 = arith.constant 0 : i32
    %dma_wait3A_20 = tpu.memref_slice %arg5[%dma_wait3A_18, %dma_wait3A_19] : memref<399x128xi32, #tpu.memory_space<hbm>> -> memref<399x128xi32, #tpu.memory_space<hbm>>
    tpu.wait_indirect_dma semaphore(%arg18 : memref<!tpu.dma_semaphore, #tpu.memory_space<semaphore_mem>>) src(%dma_wait3A_20 : memref<399x128xi32, #tpu.memory_space<hbm>>) dst(%arg15 : memref<128x128xi32, #tpu.memory_space<vmem>>)
    %dma_wait3A_21 = arith.constant 0 : i32
    %dma_wait3A_22 = arith.constant 0 : i32
    %dma_wait3A_23 = tpu.memref_slice %arg6[%dma_wait3A_21, %dma_wait3A_22] : memref<5825x128xi32, #tpu.memory_space<hbm>> -> memref<5825x128xi32, #tpu.memory_space<hbm>>
    tpu.wait_indirect_dma semaphore(%arg18 : memref<!tpu.dma_semaphore, #tpu.memory_space<semaphore_mem>>) src(%dma_wait3A_23 : memref<5825x128xi32, #tpu.memory_space<hbm>>) dst(%arg16 : memref<128x128xi32, #tpu.memory_space<vmem>>)
    %dma_wait3A_24 = arith.constant 0 : i32
    %dma_wait3A_25 = arith.constant 0 : i32
    %dma_wait3A_26 = tpu.memref_slice %arg7[%dma_wait3A_24, %dma_wait3A_25] : memref<5825x128xi32, #tpu.memory_space<hbm>> -> memref<5825x128xi32, #tpu.memory_space<hbm>>
    tpu.wait_indirect_dma semaphore(%arg18 : memref<!tpu.dma_semaphore, #tpu.memory_space<semaphore_mem>>) src(%dma_wait3A_26 : memref<5825x128xi32, #tpu.memory_space<hbm>>) dst(%arg17 : memref<128x128xi32, #tpu.memory_space<vmem>>)
    "tpu.region"() ({
      %run_scoped3A = tpu.sem_alloc : memref<!tpu.dma_semaphore, #tpu.memory_space<semaphore_mem>>
      %dma_start3A_53 = arith.constant 0 : i32
      %dma_start3A_54 = tpu.memref_slice %arg8[%add3A_4, %dma_start3A_53] : memref<8192x128xi32, #tpu.memory_space<hbm>> -> memref<128x128xi32, #tpu.memory_space<hbm>>
      %dma_start3A_55 = arith.constant 0 : i32
      %dma_start3A_56 = tpu.memref_slice %arg8[%add3A_4, %dma_start3A_55] : memref<8192x128xi32, #tpu.memory_space<hbm>> -> memref<128x128xi32, #tpu.memory_space<hbm>>
      tpu.enqueue_dma source(%arg14 : memref<128x128xi32, #tpu.memory_space<vmem>>) target(%dma_start3A_56 : memref<128x128xi32, #tpu.memory_space<hbm>>) target_semaphore(%run_scoped3A : memref<!tpu.dma_semaphore, #tpu.memory_space<semaphore_mem>>)
      %dma_wait3A_57 = arith.constant 0 : i32
      %dma_wait3A_58 = tpu.memref_slice %arg8[%add3A_4, %dma_wait3A_57] : memref<8192x128xi32, #tpu.memory_space<hbm>> -> memref<128x128xi32, #tpu.memory_space<hbm>>
      %dma_wait3A_59 = arith.constant 0 : i32
      %dma_wait3A_60 = tpu.memref_slice %arg8[%add3A_4, %dma_wait3A_59] : memref<8192x128xi32, #tpu.memory_space<hbm>> -> memref<128x128xi32, #tpu.memory_space<hbm>>
      tpu.wait_dma2 semaphore(%run_scoped3A : memref<!tpu.dma_semaphore, #tpu.memory_space<semaphore_mem>>) src(%arg14 : memref<128x128xi32, #tpu.memory_space<vmem>>) dst(%dma_wait3A_60 : memref<128x128xi32, #tpu.memory_space<hbm>>)
      tpu.yield
    }) : () -> ()
    "tpu.region"() ({
      %run_scoped3A = tpu.sem_alloc : memref<!tpu.dma_semaphore, #tpu.memory_space<semaphore_mem>>
      %dma_start3A_53 = arith.constant 0 : i32
      %dma_start3A_54 = tpu.memref_slice %arg9[%add3A_4, %dma_start3A_53] : memref<8192x128xi32, #tpu.memory_space<hbm>> -> memref<128x128xi32, #tpu.memory_space<hbm>>
      %dma_start3A_55 = arith.constant 0 : i32
      %dma_start3A_56 = tpu.memref_slice %arg9[%add3A_4, %dma_start3A_55] : memref<8192x128xi32, #tpu.memory_space<hbm>> -> memref<128x128xi32, #tpu.memory_space<hbm>>
      tpu.enqueue_dma source(%arg15 : memref<128x128xi32, #tpu.memory_space<vmem>>) target(%dma_start3A_56 : memref<128x128xi32, #tpu.memory_space<hbm>>) target_semaphore(%run_scoped3A : memref<!tpu.dma_semaphore, #tpu.memory_space<semaphore_mem>>)
      %dma_wait3A_57 = arith.constant 0 : i32
      %dma_wait3A_58 = tpu.memref_slice %arg9[%add3A_4, %dma_wait3A_57] : memref<8192x128xi32, #tpu.memory_space<hbm>> -> memref<128x128xi32, #tpu.memory_space<hbm>>
      %dma_wait3A_59 = arith.constant 0 : i32
      %dma_wait3A_60 = tpu.memref_slice %arg9[%add3A_4, %dma_wait3A_59] : memref<8192x128xi32, #tpu.memory_space<hbm>> -> memref<128x128xi32, #tpu.memory_space<hbm>>
      tpu.wait_dma2 semaphore(%run_scoped3A : memref<!tpu.dma_semaphore, #tpu.memory_space<semaphore_mem>>) src(%arg15 : memref<128x128xi32, #tpu.memory_space<vmem>>) dst(%dma_wait3A_60 : memref<128x128xi32, #tpu.memory_space<hbm>>)
      tpu.yield
    }) : () -> ()
    "tpu.region"() ({
      %run_scoped3A = tpu.sem_alloc : memref<!tpu.dma_semaphore, #tpu.memory_space<semaphore_mem>>
      %dma_start3A_53 = arith.constant 0 : i32
      %dma_start3A_54 = tpu.memref_slice %arg10[%add3A_4, %dma_start3A_53] : memref<8192x128xi32, #tpu.memory_space<hbm>> -> memref<128x128xi32, #tpu.memory_space<hbm>>
      %dma_start3A_55 = arith.constant 0 : i32
      %dma_start3A_56 = tpu.memref_slice %arg10[%add3A_4, %dma_start3A_55] : memref<8192x128xi32, #tpu.memory_space<hbm>> -> memref<128x128xi32, #tpu.memory_space<hbm>>
      tpu.enqueue_dma source(%arg16 : memref<128x128xi32, #tpu.memory_space<vmem>>) target(%dma_start3A_56 : memref<128x128xi32, #tpu.memory_space<hbm>>) target_semaphore(%run_scoped3A : memref<!tpu.dma_semaphore, #tpu.memory_space<semaphore_mem>>)
      %dma_wait3A_57 = arith.constant 0 : i32
      %dma_wait3A_58 = tpu.memref_slice %arg10[%add3A_4, %dma_wait3A_57] : memref<8192x128xi32, #tpu.memory_space<hbm>> -> memref<128x128xi32, #tpu.memory_space<hbm>>
      %dma_wait3A_59 = arith.constant 0 : i32
      %dma_wait3A_60 = tpu.memref_slice %arg10[%add3A_4, %dma_wait3A_59] : memref<8192x128xi32, #tpu.memory_space<hbm>> -> memref<128x128xi32, #tpu.memory_space<hbm>>
      tpu.wait_dma2 semaphore(%run_scoped3A : memref<!tpu.dma_semaphore, #tpu.memory_space<semaphore_mem>>) src(%arg16 : memref<128x128xi32, #tpu.memory_space<vmem>>) dst(%dma_wait3A_60 : memref<128x128xi32, #tpu.memory_space<hbm>>)
      tpu.yield
    }) : () -> ()
    "tpu.region"() ({
      %run_scoped3A = tpu.sem_alloc : memref<!tpu.dma_semaphore, #tpu.memory_space<semaphore_mem>>
      %dma_start3A_53 = arith.constant 0 : i32
      %dma_start3A_54 = tpu.memref_slice %arg11[%add3A_4, %dma_start3A_53] : memref<8192x128xi32, #tpu.memory_space<hbm>> -> memref<128x128xi32, #tpu.memory_space<hbm>>
      %dma_start3A_55 = arith.constant 0 : i32
      %dma_start3A_56 = tpu.memref_slice %arg11[%add3A_4, %dma_start3A_55] : memref<8192x128xi32, #tpu.memory_space<hbm>> -> memref<128x128xi32, #tpu.memory_space<hbm>>
      tpu.enqueue_dma source(%arg17 : memref<128x128xi32, #tpu.memory_space<vmem>>) target(%dma_start3A_56 : memref<128x128xi32, #tpu.memory_space<hbm>>) target_semaphore(%run_scoped3A : memref<!tpu.dma_semaphore, #tpu.memory_space<semaphore_mem>>)
      %dma_wait3A_57 = arith.constant 0 : i32
      %dma_wait3A_58 = tpu.memref_slice %arg11[%add3A_4, %dma_wait3A_57] : memref<8192x128xi32, #tpu.memory_space<hbm>> -> memref<128x128xi32, #tpu.memory_space<hbm>>
      %dma_wait3A_59 = arith.constant 0 : i32
      %dma_wait3A_60 = tpu.memref_slice %arg11[%add3A_4, %dma_wait3A_59] : memref<8192x128xi32, #tpu.memory_space<hbm>> -> memref<128x128xi32, #tpu.memory_space<hbm>>
      tpu.wait_dma2 semaphore(%run_scoped3A : memref<!tpu.dma_semaphore, #tpu.memory_space<semaphore_mem>>) src(%arg17 : memref<128x128xi32, #tpu.memory_space<vmem>>) dst(%dma_wait3A_60 : memref<128x128xi32, #tpu.memory_space<hbm>>)
      tpu.yield
    }) : () -> ()
    %add3A_27 = arith.constant 128 : i32
    %add3A_28 = arith.addi %mul3A_2, %add3A_27 : i32
    "tpu.region"() ({
      %run_scoped3A = tpu.sem_alloc : memref<!tpu.dma_semaphore, #tpu.memory_space<semaphore_mem>>
      %dma_start3A_53 = tpu.memref_slice %arg2[%add3A_28] : memref<8192xi32, #tpu.memory_space<hbm>> -> memref<128xi32, #tpu.memory_space<hbm>>
      %dma_start3A_54 = tpu.memref_slice %arg2[%add3A_28] : memref<8192xi32, #tpu.memory_space<hbm>> -> memref<128xi32, #tpu.memory_space<hbm>>
      tpu.enqueue_dma source(%dma_start3A_54 : memref<128xi32, #tpu.memory_space<hbm>>) target(%arg12 : memref<128xi32, #tpu.memory_space<vmem>>) target_semaphore(%run_scoped3A : memref<!tpu.dma_semaphore, #tpu.memory_space<semaphore_mem>>)
      %dma_wait3A_55 = tpu.memref_slice %arg2[%add3A_28] : memref<8192xi32, #tpu.memory_space<hbm>> -> memref<128xi32, #tpu.memory_space<hbm>>
      %dma_wait3A_56 = tpu.memref_slice %arg2[%add3A_28] : memref<8192xi32, #tpu.memory_space<hbm>> -> memref<128xi32, #tpu.memory_space<hbm>>
      tpu.wait_dma2 semaphore(%run_scoped3A : memref<!tpu.dma_semaphore, #tpu.memory_space<semaphore_mem>>) src(%dma_wait3A_56 : memref<128xi32, #tpu.memory_space<hbm>>) dst(%arg12 : memref<128xi32, #tpu.memory_space<vmem>>)
      tpu.yield
    }) : () -> ()
    "tpu.region"() ({
      %run_scoped3A = tpu.sem_alloc : memref<!tpu.dma_semaphore, #tpu.memory_space<semaphore_mem>>
      %dma_start3A_53 = tpu.memref_slice %arg3[%add3A_28] : memref<8192xi32, #tpu.memory_space<hbm>> -> memref<128xi32, #tpu.memory_space<hbm>>
      %dma_start3A_54 = tpu.memref_slice %arg3[%add3A_28] : memref<8192xi32, #tpu.memory_space<hbm>> -> memref<128xi32, #tpu.memory_space<hbm>>
      tpu.enqueue_dma source(%dma_start3A_54 : memref<128xi32, #tpu.memory_space<hbm>>) target(%arg13 : memref<128xi32, #tpu.memory_space<vmem>>) target_semaphore(%run_scoped3A : memref<!tpu.dma_semaphore, #tpu.memory_space<semaphore_mem>>)
      %dma_wait3A_55 = tpu.memref_slice %arg3[%add3A_28] : memref<8192xi32, #tpu.memory_space<hbm>> -> memref<128xi32, #tpu.memory_space<hbm>>
      %dma_wait3A_56 = tpu.memref_slice %arg3[%add3A_28] : memref<8192xi32, #tpu.memory_space<hbm>> -> memref<128xi32, #tpu.memory_space<hbm>>
      tpu.wait_dma2 semaphore(%run_scoped3A : memref<!tpu.dma_semaphore, #tpu.memory_space<semaphore_mem>>) src(%dma_wait3A_56 : memref<128xi32, #tpu.memory_space<hbm>>) dst(%arg13 : memref<128xi32, #tpu.memory_space<vmem>>)
      tpu.yield
    }) : () -> ()
    %dma_start3A_29 = arith.constant 0 : i32
    %dma_start3A_30 = arith.constant 0 : i32
    %dma_start3A_31 = tpu.memref_slice %arg4[%dma_start3A_29, %dma_start3A_30] : memref<339x128xi32, #tpu.memory_space<hbm>> -> memref<339x128xi32, #tpu.memory_space<hbm>>
    tpu.enqueue_indirect_dma source(%dma_start3A_31 : memref<339x128xi32, #tpu.memory_space<hbm>>) target(%arg14 : memref<128x128xi32, #tpu.memory_space<vmem>>) offsets(%arg12 : memref<128xi32, #tpu.memory_space<vmem>>) semaphore(%arg18 : memref<!tpu.dma_semaphore, #tpu.memory_space<semaphore_mem>>)
    %dma_start3A_32 = arith.constant 0 : i32
    %dma_start3A_33 = arith.constant 0 : i32
    %dma_start3A_34 = tpu.memref_slice %arg5[%dma_start3A_32, %dma_start3A_33] : memref<399x128xi32, #tpu.memory_space<hbm>> -> memref<399x128xi32, #tpu.memory_space<hbm>>
    tpu.enqueue_indirect_dma source(%dma_start3A_34 : memref<399x128xi32, #tpu.memory_space<hbm>>) target(%arg15 : memref<128x128xi32, #tpu.memory_space<vmem>>) offsets(%arg12 : memref<128xi32, #tpu.memory_space<vmem>>) semaphore(%arg18 : memref<!tpu.dma_semaphore, #tpu.memory_space<semaphore_mem>>)
    %dma_start3A_35 = arith.constant 0 : i32
    %dma_start3A_36 = arith.constant 0 : i32
    %dma_start3A_37 = tpu.memref_slice %arg6[%dma_start3A_35, %dma_start3A_36] : memref<5825x128xi32, #tpu.memory_space<hbm>> -> memref<5825x128xi32, #tpu.memory_space<hbm>>
    tpu.enqueue_indirect_dma source(%dma_start3A_37 : memref<5825x128xi32, #tpu.memory_space<hbm>>) target(%arg16 : memref<128x128xi32, #tpu.memory_space<vmem>>) offsets(%arg13 : memref<128xi32, #tpu.memory_space<vmem>>) semaphore(%arg18 : memref<!tpu.dma_semaphore, #tpu.memory_space<semaphore_mem>>)
    %dma_start3A_38 = arith.constant 0 : i32
    %dma_start3A_39 = arith.constant 0 : i32
    %dma_start3A_40 = tpu.memref_slice %arg7[%dma_start3A_38, %dma_start3A_39] : memref<5825x128xi32, #tpu.memory_space<hbm>> -> memref<5825x128xi32, #tpu.memory_space<hbm>>
    tpu.enqueue_indirect_dma source(%dma_start3A_40 : memref<5825x128xi32, #tpu.memory_space<hbm>>) target(%arg17 : memref<128x128xi32, #tpu.memory_space<vmem>>) offsets(%arg13 : memref<128xi32, #tpu.memory_space<vmem>>) semaphore(%arg18 : memref<!tpu.dma_semaphore, #tpu.memory_space<semaphore_mem>>)
    %dma_wait3A_41 = arith.constant 0 : i32
    %dma_wait3A_42 = arith.constant 0 : i32
    %dma_wait3A_43 = tpu.memref_slice %arg4[%dma_wait3A_41, %dma_wait3A_42] : memref<339x128xi32, #tpu.memory_space<hbm>> -> memref<339x128xi32, #tpu.memory_space<hbm>>
    tpu.wait_indirect_dma semaphore(%arg18 : memref<!tpu.dma_semaphore, #tpu.memory_space<semaphore_mem>>) src(%dma_wait3A_43 : memref<339x128xi32, #tpu.memory_space<hbm>>) dst(%arg14 : memref<128x128xi32, #tpu.memory_space<vmem>>)
    %dma_wait3A_44 = arith.constant 0 : i32
    %dma_wait3A_45 = arith.constant 0 : i32
    %dma_wait3A_46 = tpu.memref_slice %arg5[%dma_wait3A_44, %dma_wait3A_45] : memref<399x128xi32, #tpu.memory_space<hbm>> -> memref<399x128xi32, #tpu.memory_space<hbm>>
    tpu.wait_indirect_dma semaphore(%arg18 : memref<!tpu.dma_semaphore, #tpu.memory_space<semaphore_mem>>) src(%dma_wait3A_46 : memref<399x128xi32, #tpu.memory_space<hbm>>) dst(%arg15 : memref<128x128xi32, #tpu.memory_space<vmem>>)
    %dma_wait3A_47 = arith.constant 0 : i32
    %dma_wait3A_48 = arith.constant 0 : i32
    %dma_wait3A_49 = tpu.memref_slice %arg6[%dma_wait3A_47, %dma_wait3A_48] : memref<5825x128xi32, #tpu.memory_space<hbm>> -> memref<5825x128xi32, #tpu.memory_space<hbm>>
    tpu.wait_indirect_dma semaphore(%arg18 : memref<!tpu.dma_semaphore, #tpu.memory_space<semaphore_mem>>) src(%dma_wait3A_49 : memref<5825x128xi32, #tpu.memory_space<hbm>>) dst(%arg16 : memref<128x128xi32, #tpu.memory_space<vmem>>)
    %dma_wait3A_50 = arith.constant 0 : i32
    %dma_wait3A_51 = arith.constant 0 : i32
    %dma_wait3A_52 = tpu.memref_slice %arg7[%dma_wait3A_50, %dma_wait3A_51] : memref<5825x128xi32, #tpu.memory_space<hbm>> -> memref<5825x128xi32, #tpu.memory_space<hbm>>
    tpu.wait_indirect_dma semaphore(%arg18 : memref<!tpu.dma_semaphore, #tpu.memory_space<semaphore_mem>>) src(%dma_wait3A_52 : memref<5825x128xi32, #tpu.memory_space<hbm>>) dst(%arg17 : memref<128x128xi32, #tpu.memory_space<vmem>>)
    "tpu.region"() ({
      %run_scoped3A = tpu.sem_alloc : memref<!tpu.dma_semaphore, #tpu.memory_space<semaphore_mem>>
      %dma_start3A_53 = arith.constant 0 : i32
      %dma_start3A_54 = tpu.memref_slice %arg8[%add3A_28, %dma_start3A_53] : memref<8192x128xi32, #tpu.memory_space<hbm>> -> memref<128x128xi32, #tpu.memory_space<hbm>>
      %dma_start3A_55 = arith.constant 0 : i32
      %dma_start3A_56 = tpu.memref_slice %arg8[%add3A_28, %dma_start3A_55] : memref<8192x128xi32, #tpu.memory_space<hbm>> -> memref<128x128xi32, #tpu.memory_space<hbm>>
      tpu.enqueue_dma source(%arg14 : memref<128x128xi32, #tpu.memory_space<vmem>>) target(%dma_start3A_56 : memref<128x128xi32, #tpu.memory_space<hbm>>) target_semaphore(%run_scoped3A : memref<!tpu.dma_semaphore, #tpu.memory_space<semaphore_mem>>)
      %dma_wait3A_57 = arith.constant 0 : i32
      %dma_wait3A_58 = tpu.memref_slice %arg8[%add3A_28, %dma_wait3A_57] : memref<8192x128xi32, #tpu.memory_space<hbm>> -> memref<128x128xi32, #tpu.memory_space<hbm>>
      %dma_wait3A_59 = arith.constant 0 : i32
      %dma_wait3A_60 = tpu.memref_slice %arg8[%add3A_28, %dma_wait3A_59] : memref<8192x128xi32, #tpu.memory_space<hbm>> -> memref<128x128xi32, #tpu.memory_space<hbm>>
      tpu.wait_dma2 semaphore(%run_scoped3A : memref<!tpu.dma_semaphore, #tpu.memory_space<semaphore_mem>>) src(%arg14 : memref<128x128xi32, #tpu.memory_space<vmem>>) dst(%dma_wait3A_60 : memref<128x128xi32, #tpu.memory_space<hbm>>)
      tpu.yield
    }) : () -> ()
    "tpu.region"() ({
      %run_scoped3A = tpu.sem_alloc : memref<!tpu.dma_semaphore, #tpu.memory_space<semaphore_mem>>
      %dma_start3A_53 = arith.constant 0 : i32
      %dma_start3A_54 = tpu.memref_slice %arg9[%add3A_28, %dma_start3A_53] : memref<8192x128xi32, #tpu.memory_space<hbm>> -> memref<128x128xi32, #tpu.memory_space<hbm>>
      %dma_start3A_55 = arith.constant 0 : i32
      %dma_start3A_56 = tpu.memref_slice %arg9[%add3A_28, %dma_start3A_55] : memref<8192x128xi32, #tpu.memory_space<hbm>> -> memref<128x128xi32, #tpu.memory_space<hbm>>
      tpu.enqueue_dma source(%arg15 : memref<128x128xi32, #tpu.memory_space<vmem>>) target(%dma_start3A_56 : memref<128x128xi32, #tpu.memory_space<hbm>>) target_semaphore(%run_scoped3A : memref<!tpu.dma_semaphore, #tpu.memory_space<semaphore_mem>>)
      %dma_wait3A_57 = arith.constant 0 : i32
      %dma_wait3A_58 = tpu.memref_slice %arg9[%add3A_28, %dma_wait3A_57] : memref<8192x128xi32, #tpu.memory_space<hbm>> -> memref<128x128xi32, #tpu.memory_space<hbm>>
      %dma_wait3A_59 = arith.constant 0 : i32
      %dma_wait3A_60 = tpu.memref_slice %arg9[%add3A_28, %dma_wait3A_59] : memref<8192x128xi32, #tpu.memory_space<hbm>> -> memref<128x128xi32, #tpu.memory_space<hbm>>
      tpu.wait_dma2 semaphore(%run_scoped3A : memref<!tpu.dma_semaphore, #tpu.memory_space<semaphore_mem>>) src(%arg15 : memref<128x128xi32, #tpu.memory_space<vmem>>) dst(%dma_wait3A_60 : memref<128x128xi32, #tpu.memory_space<hbm>>)
      tpu.yield
    }) : () -> ()
    "tpu.region"() ({
      %run_scoped3A = tpu.sem_alloc : memref<!tpu.dma_semaphore, #tpu.memory_space<semaphore_mem>>
      %dma_start3A_53 = arith.constant 0 : i32
      %dma_start3A_54 = tpu.memref_slice %arg10[%add3A_28, %dma_start3A_53] : memref<8192x128xi32, #tpu.memory_space<hbm>> -> memref<128x128xi32, #tpu.memory_space<hbm>>
      %dma_start3A_55 = arith.constant 0 : i32
      %dma_start3A_56 = tpu.memref_slice %arg10[%add3A_28, %dma_start3A_55] : memref<8192x128xi32, #tpu.memory_space<hbm>> -> memref<128x128xi32, #tpu.memory_space<hbm>>
      tpu.enqueue_dma source(%arg16 : memref<128x128xi32, #tpu.memory_space<vmem>>) target(%dma_start3A_56 : memref<128x128xi32, #tpu.memory_space<hbm>>) target_semaphore(%run_scoped3A : memref<!tpu.dma_semaphore, #tpu.memory_space<semaphore_mem>>)
      %dma_wait3A_57 = arith.constant 0 : i32
      %dma_wait3A_58 = tpu.memref_slice %arg10[%add3A_28, %dma_wait3A_57] : memref<8192x128xi32, #tpu.memory_space<hbm>> -> memref<128x128xi32, #tpu.memory_space<hbm>>
      %dma_wait3A_59 = arith.constant 0 : i32
      %dma_wait3A_60 = tpu.memref_slice %arg10[%add3A_28, %dma_wait3A_59] : memref<8192x128xi32, #tpu.memory_space<hbm>> -> memref<128x128xi32, #tpu.memory_space<hbm>>
      tpu.wait_dma2 semaphore(%run_scoped3A : memref<!tpu.dma_semaphore, #tpu.memory_space<semaphore_mem>>) src(%arg16 : memref<128x128xi32, #tpu.memory_space<vmem>>) dst(%dma_wait3A_60 : memref<128x128xi32, #tpu.memory_space<hbm>>)
      tpu.yield
    }) : () -> ()
    "tpu.region"() ({
      %run_scoped3A = tpu.sem_alloc : memref<!tpu.dma_semaphore, #tpu.memory_space<semaphore_mem>>
      %dma_start3A_53 = arith.constant 0 : i32
      %dma_start3A_54 = tpu.memref_slice %arg11[%add3A_28, %dma_start3A_53] : memref<8192x128xi32, #tpu.memory_space<hbm>> -> memref<128x128xi32, #tpu.memory_space<hbm>>
      %dma_start3A_55 = arith.constant 0 : i32
      %dma_start3A_56 = tpu.memref_slice %arg11[%add3A_28, %dma_start3A_55] : memref<8192x128xi32, #tpu.memory_space<hbm>> -> memref<128x128xi32, #tpu.memory_space<hbm>>
      tpu.enqueue_dma source(%arg17 : memref<128x128xi32, #tpu.memory_space<vmem>>) target(%dma_start3A_56 : memref<128x128xi32, #tpu.memory_space<hbm>>) target_semaphore(%run_scoped3A : memref<!tpu.dma_semaphore, #tpu.memory_space<semaphore_mem>>)
      %dma_wait3A_57 = arith.constant 0 : i32
      %dma_wait3A_58 = tpu.memref_slice %arg11[%add3A_28, %dma_wait3A_57] : memref<8192x128xi32, #tpu.memory_space<hbm>> -> memref<128x128xi32, #tpu.memory_space<hbm>>
      %dma_wait3A_59 = arith.constant 0 : i32
      %dma_wait3A_60 = tpu.memref_slice %arg11[%add3A_28, %dma_wait3A_59] : memref<8192x128xi32, #tpu.memory_space<hbm>> -> memref<128x128xi32, #tpu.memory_space<hbm>>
      tpu.wait_dma2 semaphore(%run_scoped3A : memref<!tpu.dma_semaphore, #tpu.memory_space<semaphore_mem>>) src(%arg17 : memref<128x128xi32, #tpu.memory_space<vmem>>) dst(%dma_wait3A_60 : memref<128x128xi32, #tpu.memory_space<hbm>>)
      tpu.yield
    }) : () -> ()
    return
  }
}

#map = affine_map<(d0, d1) -> (0)>
#map1 = affine_map<(d0, d1) -> (0, 0)>
module attributes {stable_mosaic.version = 14 : i64} {
  func.func @_sc_gather_body(%arg0: i32, %arg1: i32, %arg2: memref<8192xi32, #tpu.memory_space<hbm>>, %arg3: memref<8192xi32, #tpu.memory_space<hbm>>, %arg4: memref<339x128xi32, #tpu.memory_space<hbm>>, %arg5: memref<399x128xi32, #tpu.memory_space<hbm>>, %arg6: memref<5825x128xi32, #tpu.memory_space<hbm>>, %arg7: memref<5825x128xi32, #tpu.memory_space<hbm>>, %arg8: memref<8192x128xi32, #tpu.memory_space<hbm>>, %arg9: memref<8192x128xi32, #tpu.memory_space<hbm>>, %arg10: memref<8192x128xi32, #tpu.memory_space<hbm>>, %arg11: memref<8192x128xi32, #tpu.memory_space<hbm>>, %arg12: memref<128xi32, #tpu.memory_space<vmem>>, %arg13: memref<128xi32, #tpu.memory_space<vmem>>, %arg14: memref<128x128xi32, #tpu.memory_space<vmem>>, %arg15: memref<128x128xi32, #tpu.memory_space<vmem>>, %arg16: memref<128x128xi32, #tpu.memory_space<vmem>>, %arg17: memref<128x128xi32, #tpu.memory_space<vmem>>, %arg18: memref<!tpu.dma_semaphore, #tpu.memory_space<semaphore_mem>>) attributes {dimension_semantics = [#tpu.dimension_semantics<core_parallel>, #tpu.dimension_semantics<subcore_parallel>], iteration_bounds = array<i64: 2, 16>, scalar_prefetch = 0 : i64, scratch_operands = 7 : i64, tpu.core_type = #tpu.core_type<sc_vector_subcore>, window_params = [{transform_indices = #map}, {transform_indices = #map}, {transform_indices = #map1}, {transform_indices = #map1}, {transform_indices = #map1}, {transform_indices = #map1}, {transform_indices = #map1}, {transform_indices = #map1}, {transform_indices = #map1}, {transform_indices = #map1}]} {
    %mul3A = arith.constant 2 : i32
    %mul3A_0 = arith.muli %arg1, %mul3A : i32
    %add3A = arith.addi %mul3A_0, %arg0 : i32
    %mul3A_1 = arith.constant 256 : i32
    %mul3A_2 = arith.muli %add3A, %mul3A_1 : i32
    %add3A_3 = arith.constant 0 : i32
    %add3A_4 = arith.addi %mul3A_2, %add3A_3 : i32
    "tpu.region"() ({
      %run_scoped3A = tpu.sem_alloc : memref<!tpu.dma_semaphore, #tpu.memory_space<semaphore_mem>>
      %dma_start3A_53 = tpu.memref_slice %arg2[%add3A_4] : memref<8192xi32, #tpu.memory_space<hbm>> -> memref<128xi32, #tpu.memory_space<hbm>>
      %dma_start3A_54 = tpu.memref_slice %arg2[%add3A_4] : memref<8192xi32, #tpu.memory_space<hbm>> -> memref<128xi32, #tpu.memory_space<hbm>>
      tpu.enqueue_dma source(%dma_start3A_54 : memref<128xi32, #tpu.memory_space<hbm>>) target(%arg12 : memref<128xi32, #tpu.memory_space<vmem>>) target_semaphore(%run_scoped3A : memref<!tpu.dma_semaphore, #tpu.memory_space<semaphore_mem>>)
      %dma_wait3A_55 = tpu.memref_slice %arg2[%add3A_4] : memref<8192xi32, #tpu.memory_space<hbm>> -> memref<128xi32, #tpu.memory_space<hbm>>
      %dma_wait3A_56 = tpu.memref_slice %arg2[%add3A_4] : memref<8192xi32, #tpu.memory_space<hbm>> -> memref<128xi32, #tpu.memory_space<hbm>>
      tpu.wait_dma2 semaphore(%run_scoped3A : memref<!tpu.dma_semaphore, #tpu.memory_space<semaphore_mem>>) src(%dma_wait3A_56 : memref<128xi32, #tpu.memory_space<hbm>>) dst(%arg12 : memref<128xi32, #tpu.memory_space<vmem>>)
      tpu.yield
    }) : () -> ()
    "tpu.region"() ({
      %run_scoped3A = tpu.sem_alloc : memref<!tpu.dma_semaphore, #tpu.memory_space<semaphore_mem>>
      %dma_start3A_53 = tpu.memref_slice %arg3[%add3A_4] : memref<8192xi32, #tpu.memory_space<hbm>> -> memref<128xi32, #tpu.memory_space<hbm>>
      %dma_start3A_54 = tpu.memref_slice %arg3[%add3A_4] : memref<8192xi32, #tpu.memory_space<hbm>> -> memref<128xi32, #tpu.memory_space<hbm>>
      tpu.enqueue_dma source(%dma_start3A_54 : memref<128xi32, #tpu.memory_space<hbm>>) target(%arg13 : memref<128xi32, #tpu.memory_space<vmem>>) target_semaphore(%run_scoped3A : memref<!tpu.dma_semaphore, #tpu.memory_space<semaphore_mem>>)
      %dma_wait3A_55 = tpu.memref_slice %arg3[%add3A_4] : memref<8192xi32, #tpu.memory_space<hbm>> -> memref<128xi32, #tpu.memory_space<hbm>>
      %dma_wait3A_56 = tpu.memref_slice %arg3[%add3A_4] : memref<8192xi32, #tpu.memory_space<hbm>> -> memref<128xi32, #tpu.memory_space<hbm>>
      tpu.wait_dma2 semaphore(%run_scoped3A : memref<!tpu.dma_semaphore, #tpu.memory_space<semaphore_mem>>) src(%dma_wait3A_56 : memref<128xi32, #tpu.memory_space<hbm>>) dst(%arg13 : memref<128xi32, #tpu.memory_space<vmem>>)
      tpu.yield
    }) : () -> ()
    %dma_start3A = arith.constant 0 : i32
    %dma_start3A_5 = arith.constant 0 : i32
    %dma_start3A_6 = tpu.memref_slice %arg4[%dma_start3A, %dma_start3A_5] : memref<339x128xi32, #tpu.memory_space<hbm>> -> memref<339x128xi32, #tpu.memory_space<hbm>>
    tpu.enqueue_indirect_dma source(%dma_start3A_6 : memref<339x128xi32, #tpu.memory_space<hbm>>) target(%arg14 : memref<128x128xi32, #tpu.memory_space<vmem>>) offsets(%arg12 : memref<128xi32, #tpu.memory_space<vmem>>) semaphore(%arg18 : memref<!tpu.dma_semaphore, #tpu.memory_space<semaphore_mem>>)
    %dma_start3A_7 = arith.constant 0 : i32
    %dma_start3A_8 = arith.constant 0 : i32
    %dma_start3A_9 = tpu.memref_slice %arg5[%dma_start3A_7, %dma_start3A_8] : memref<399x128xi32, #tpu.memory_space<hbm>> -> memref<399x128xi32, #tpu.memory_space<hbm>>
    tpu.enqueue_indirect_dma source(%dma_start3A_9 : memref<399x128xi32, #tpu.memory_space<hbm>>) target(%arg15 : memref<128x128xi32, #tpu.memory_space<vmem>>) offsets(%arg12 : memref<128xi32, #tpu.memory_space<vmem>>) semaphore(%arg18 : memref<!tpu.dma_semaphore, #tpu.memory_space<semaphore_mem>>)
    %dma_start3A_10 = arith.constant 0 : i32
    %dma_start3A_11 = arith.constant 0 : i32
    %dma_start3A_12 = tpu.memref_slice %arg6[%dma_start3A_10, %dma_start3A_11] : memref<5825x128xi32, #tpu.memory_space<hbm>> -> memref<5825x128xi32, #tpu.memory_space<hbm>>
    tpu.enqueue_indirect_dma source(%dma_start3A_12 : memref<5825x128xi32, #tpu.memory_space<hbm>>) target(%arg16 : memref<128x128xi32, #tpu.memory_space<vmem>>) offsets(%arg13 : memref<128xi32, #tpu.memory_space<vmem>>) semaphore(%arg18 : memref<!tpu.dma_semaphore, #tpu.memory_space<semaphore_mem>>)
    %dma_start3A_13 = arith.constant 0 : i32
    %dma_start3A_14 = arith.constant 0 : i32
    %dma_start3A_15 = tpu.memref_slice %arg7[%dma_start3A_13, %dma_start3A_14] : memref<5825x128xi32, #tpu.memory_space<hbm>> -> memref<5825x128xi32, #tpu.memory_space<hbm>>
    tpu.enqueue_indirect_dma source(%dma_start3A_15 : memref<5825x128xi32, #tpu.memory_space<hbm>>) target(%arg17 : memref<128x128xi32, #tpu.memory_space<vmem>>) offsets(%arg13 : memref<128xi32, #tpu.memory_space<vmem>>) semaphore(%arg18 : memref<!tpu.dma_semaphore, #tpu.memory_space<semaphore_mem>>)
    %dma_wait3A = arith.constant 0 : i32
    %dma_wait3A_16 = arith.constant 0 : i32
    %dma_wait3A_17 = tpu.memref_slice %arg4[%dma_wait3A, %dma_wait3A_16] : memref<339x128xi32, #tpu.memory_space<hbm>> -> memref<339x128xi32, #tpu.memory_space<hbm>>
    tpu.wait_indirect_dma semaphore(%arg18 : memref<!tpu.dma_semaphore, #tpu.memory_space<semaphore_mem>>) src(%dma_wait3A_17 : memref<339x128xi32, #tpu.memory_space<hbm>>) dst(%arg14 : memref<128x128xi32, #tpu.memory_space<vmem>>)
    %dma_wait3A_18 = arith.constant 0 : i32
    %dma_wait3A_19 = arith.constant 0 : i32
    %dma_wait3A_20 = tpu.memref_slice %arg5[%dma_wait3A_18, %dma_wait3A_19] : memref<399x128xi32, #tpu.memory_space<hbm>> -> memref<399x128xi32, #tpu.memory_space<hbm>>
    tpu.wait_indirect_dma semaphore(%arg18 : memref<!tpu.dma_semaphore, #tpu.memory_space<semaphore_mem>>) src(%dma_wait3A_20 : memref<399x128xi32, #tpu.memory_space<hbm>>) dst(%arg15 : memref<128x128xi32, #tpu.memory_space<vmem>>)
    %dma_wait3A_21 = arith.constant 0 : i32
    %dma_wait3A_22 = arith.constant 0 : i32
    %dma_wait3A_23 = tpu.memref_slice %arg6[%dma_wait3A_21, %dma_wait3A_22] : memref<5825x128xi32, #tpu.memory_space<hbm>> -> memref<5825x128xi32, #tpu.memory_space<hbm>>
    tpu.wait_indirect_dma semaphore(%arg18 : memref<!tpu.dma_semaphore, #tpu.memory_space<semaphore_mem>>) src(%dma_wait3A_23 : memref<5825x128xi32, #tpu.memory_space<hbm>>) dst(%arg16 : memref<128x128xi32, #tpu.memory_space<vmem>>)
    %dma_wait3A_24 = arith.constant 0 : i32
    %dma_wait3A_25 = arith.constant 0 : i32
    %dma_wait3A_26 = tpu.memref_slice %arg7[%dma_wait3A_24, %dma_wait3A_25] : memref<5825x128xi32, #tpu.memory_space<hbm>> -> memref<5825x128xi32, #tpu.memory_space<hbm>>
    tpu.wait_indirect_dma semaphore(%arg18 : memref<!tpu.dma_semaphore, #tpu.memory_space<semaphore_mem>>) src(%dma_wait3A_26 : memref<5825x128xi32, #tpu.memory_space<hbm>>) dst(%arg17 : memref<128x128xi32, #tpu.memory_space<vmem>>)
    "tpu.region"() ({
      %run_scoped3A = tpu.sem_alloc : memref<!tpu.dma_semaphore, #tpu.memory_space<semaphore_mem>>
      %dma_start3A_53 = arith.constant 0 : i32
      %dma_start3A_54 = tpu.memref_slice %arg8[%add3A_4, %dma_start3A_53] : memref<8192x128xi32, #tpu.memory_space<hbm>> -> memref<128x128xi32, #tpu.memory_space<hbm>>
      %dma_start3A_55 = arith.constant 0 : i32
      %dma_start3A_56 = tpu.memref_slice %arg8[%add3A_4, %dma_start3A_55] : memref<8192x128xi32, #tpu.memory_space<hbm>> -> memref<128x128xi32, #tpu.memory_space<hbm>>
      tpu.enqueue_dma source(%arg14 : memref<128x128xi32, #tpu.memory_space<vmem>>) target(%dma_start3A_56 : memref<128x128xi32, #tpu.memory_space<hbm>>) target_semaphore(%run_scoped3A : memref<!tpu.dma_semaphore, #tpu.memory_space<semaphore_mem>>)
      %dma_wait3A_57 = arith.constant 0 : i32
      %dma_wait3A_58 = tpu.memref_slice %arg8[%add3A_4, %dma_wait3A_57] : memref<8192x128xi32, #tpu.memory_space<hbm>> -> memref<128x128xi32, #tpu.memory_space<hbm>>
      %dma_wait3A_59 = arith.constant 0 : i32
      %dma_wait3A_60 = tpu.memref_slice %arg8[%add3A_4, %dma_wait3A_59] : memref<8192x128xi32, #tpu.memory_space<hbm>> -> memref<128x128xi32, #tpu.memory_space<hbm>>
      tpu.wait_dma2 semaphore(%run_scoped3A : memref<!tpu.dma_semaphore, #tpu.memory_space<semaphore_mem>>) src(%arg14 : memref<128x128xi32, #tpu.memory_space<vmem>>) dst(%dma_wait3A_60 : memref<128x128xi32, #tpu.memory_space<hbm>>)
      tpu.yield
    }) : () -> ()
    "tpu.region"() ({
      %run_scoped3A = tpu.sem_alloc : memref<!tpu.dma_semaphore, #tpu.memory_space<semaphore_mem>>
      %dma_start3A_53 = arith.constant 0 : i32
      %dma_start3A_54 = tpu.memref_slice %arg9[%add3A_4, %dma_start3A_53] : memref<8192x128xi32, #tpu.memory_space<hbm>> -> memref<128x128xi32, #tpu.memory_space<hbm>>
      %dma_start3A_55 = arith.constant 0 : i32
      %dma_start3A_56 = tpu.memref_slice %arg9[%add3A_4, %dma_start3A_55] : memref<8192x128xi32, #tpu.memory_space<hbm>> -> memref<128x128xi32, #tpu.memory_space<hbm>>
      tpu.enqueue_dma source(%arg15 : memref<128x128xi32, #tpu.memory_space<vmem>>) target(%dma_start3A_56 : memref<128x128xi32, #tpu.memory_space<hbm>>) target_semaphore(%run_scoped3A : memref<!tpu.dma_semaphore, #tpu.memory_space<semaphore_mem>>)
      %dma_wait3A_57 = arith.constant 0 : i32
      %dma_wait3A_58 = tpu.memref_slice %arg9[%add3A_4, %dma_wait3A_57] : memref<8192x128xi32, #tpu.memory_space<hbm>> -> memref<128x128xi32, #tpu.memory_space<hbm>>
      %dma_wait3A_59 = arith.constant 0 : i32
      %dma_wait3A_60 = tpu.memref_slice %arg9[%add3A_4, %dma_wait3A_59] : memref<8192x128xi32, #tpu.memory_space<hbm>> -> memref<128x128xi32, #tpu.memory_space<hbm>>
      tpu.wait_dma2 semaphore(%run_scoped3A : memref<!tpu.dma_semaphore, #tpu.memory_space<semaphore_mem>>) src(%arg15 : memref<128x128xi32, #tpu.memory_space<vmem>>) dst(%dma_wait3A_60 : memref<128x128xi32, #tpu.memory_space<hbm>>)
      tpu.yield
    }) : () -> ()
    "tpu.region"() ({
      %run_scoped3A = tpu.sem_alloc : memref<!tpu.dma_semaphore, #tpu.memory_space<semaphore_mem>>
      %dma_start3A_53 = arith.constant 0 : i32
      %dma_start3A_54 = tpu.memref_slice %arg10[%add3A_4, %dma_start3A_53] : memref<8192x128xi32, #tpu.memory_space<hbm>> -> memref<128x128xi32, #tpu.memory_space<hbm>>
      %dma_start3A_55 = arith.constant 0 : i32
      %dma_start3A_56 = tpu.memref_slice %arg10[%add3A_4, %dma_start3A_55] : memref<8192x128xi32, #tpu.memory_space<hbm>> -> memref<128x128xi32, #tpu.memory_space<hbm>>
      tpu.enqueue_dma source(%arg16 : memref<128x128xi32, #tpu.memory_space<vmem>>) target(%dma_start3A_56 : memref<128x128xi32, #tpu.memory_space<hbm>>) target_semaphore(%run_scoped3A : memref<!tpu.dma_semaphore, #tpu.memory_space<semaphore_mem>>)
      %dma_wait3A_57 = arith.constant 0 : i32
      %dma_wait3A_58 = tpu.memref_slice %arg10[%add3A_4, %dma_wait3A_57] : memref<8192x128xi32, #tpu.memory_space<hbm>> -> memref<128x128xi32, #tpu.memory_space<hbm>>
      %dma_wait3A_59 = arith.constant 0 : i32
      %dma_wait3A_60 = tpu.memref_slice %arg10[%add3A_4, %dma_wait3A_59] : memref<8192x128xi32, #tpu.memory_space<hbm>> -> memref<128x128xi32, #tpu.memory_space<hbm>>
      tpu.wait_dma2 semaphore(%run_scoped3A : memref<!tpu.dma_semaphore, #tpu.memory_space<semaphore_mem>>) src(%arg16 : memref<128x128xi32, #tpu.memory_space<vmem>>) dst(%dma_wait3A_60 : memref<128x128xi32, #tpu.memory_space<hbm>>)
      tpu.yield
    }) : () -> ()
    "tpu.region"() ({
      %run_scoped3A = tpu.sem_alloc : memref<!tpu.dma_semaphore, #tpu.memory_space<semaphore_mem>>
      %dma_start3A_53 = arith.constant 0 : i32
      %dma_start3A_54 = tpu.memref_slice %arg11[%add3A_4, %dma_start3A_53] : memref<8192x128xi32, #tpu.memory_space<hbm>> -> memref<128x128xi32, #tpu.memory_space<hbm>>
      %dma_start3A_55 = arith.constant 0 : i32
      %dma_start3A_56 = tpu.memref_slice %arg11[%add3A_4, %dma_start3A_55] : memref<8192x128xi32, #tpu.memory_space<hbm>> -> memref<128x128xi32, #tpu.memory_space<hbm>>
      tpu.enqueue_dma source(%arg17 : memref<128x128xi32, #tpu.memory_space<vmem>>) target(%dma_start3A_56 : memref<128x128xi32, #tpu.memory_space<hbm>>) target_semaphore(%run_scoped3A : memref<!tpu.dma_semaphore, #tpu.memory_space<semaphore_mem>>)
      %dma_wait3A_57 = arith.constant 0 : i32
      %dma_wait3A_58 = tpu.memref_slice %arg11[%add3A_4, %dma_wait3A_57] : memref<8192x128xi32, #tpu.memory_space<hbm>> -> memref<128x128xi32, #tpu.memory_space<hbm>>
      %dma_wait3A_59 = arith.constant 0 : i32
      %dma_wait3A_60 = tpu.memref_slice %arg11[%add3A_4, %dma_wait3A_59] : memref<8192x128xi32, #tpu.memory_space<hbm>> -> memref<128x128xi32, #tpu.memory_space<hbm>>
      tpu.wait_dma2 semaphore(%run_scoped3A : memref<!tpu.dma_semaphore, #tpu.memory_space<semaphore_mem>>) src(%arg17 : memref<128x128xi32, #tpu.memory_space<vmem>>) dst(%dma_wait3A_60 : memref<128x128xi32, #tpu.memory_space<hbm>>)
      tpu.yield
    }) : () -> ()
    %add3A_27 = arith.constant 128 : i32
    %add3A_28 = arith.addi %mul3A_2, %add3A_27 : i32
    "tpu.region"() ({
      %run_scoped3A = tpu.sem_alloc : memref<!tpu.dma_semaphore, #tpu.memory_space<semaphore_mem>>
      %dma_start3A_53 = tpu.memref_slice %arg2[%add3A_28] : memref<8192xi32, #tpu.memory_space<hbm>> -> memref<128xi32, #tpu.memory_space<hbm>>
      %dma_start3A_54 = tpu.memref_slice %arg2[%add3A_28] : memref<8192xi32, #tpu.memory_space<hbm>> -> memref<128xi32, #tpu.memory_space<hbm>>
      tpu.enqueue_dma source(%dma_start3A_54 : memref<128xi32, #tpu.memory_space<hbm>>) target(%arg12 : memref<128xi32, #tpu.memory_space<vmem>>) target_semaphore(%run_scoped3A : memref<!tpu.dma_semaphore, #tpu.memory_space<semaphore_mem>>)
      %dma_wait3A_55 = tpu.memref_slice %arg2[%add3A_28] : memref<8192xi32, #tpu.memory_space<hbm>> -> memref<128xi32, #tpu.memory_space<hbm>>
      %dma_wait3A_56 = tpu.memref_slice %arg2[%add3A_28] : memref<8192xi32, #tpu.memory_space<hbm>> -> memref<128xi32, #tpu.memory_space<hbm>>
      tpu.wait_dma2 semaphore(%run_scoped3A : memref<!tpu.dma_semaphore, #tpu.memory_space<semaphore_mem>>) src(%dma_wait3A_56 : memref<128xi32, #tpu.memory_space<hbm>>) dst(%arg12 : memref<128xi32, #tpu.memory_space<vmem>>)
      tpu.yield
    }) : () -> ()
    "tpu.region"() ({
      %run_scoped3A = tpu.sem_alloc : memref<!tpu.dma_semaphore, #tpu.memory_space<semaphore_mem>>
      %dma_start3A_53 = tpu.memref_slice %arg3[%add3A_28] : memref<8192xi32, #tpu.memory_space<hbm>> -> memref<128xi32, #tpu.memory_space<hbm>>
      %dma_start3A_54 = tpu.memref_slice %arg3[%add3A_28] : memref<8192xi32, #tpu.memory_space<hbm>> -> memref<128xi32, #tpu.memory_space<hbm>>
      tpu.enqueue_dma source(%dma_start3A_54 : memref<128xi32, #tpu.memory_space<hbm>>) target(%arg13 : memref<128xi32, #tpu.memory_space<vmem>>) target_semaphore(%run_scoped3A : memref<!tpu.dma_semaphore, #tpu.memory_space<semaphore_mem>>)
      %dma_wait3A_55 = tpu.memref_slice %arg3[%add3A_28] : memref<8192xi32, #tpu.memory_space<hbm>> -> memref<128xi32, #tpu.memory_space<hbm>>
      %dma_wait3A_56 = tpu.memref_slice %arg3[%add3A_28] : memref<8192xi32, #tpu.memory_space<hbm>> -> memref<128xi32, #tpu.memory_space<hbm>>
      tpu.wait_dma2 semaphore(%run_scoped3A : memref<!tpu.dma_semaphore, #tpu.memory_space<semaphore_mem>>) src(%dma_wait3A_56 : memref<128xi32, #tpu.memory_space<hbm>>) dst(%arg13 : memref<128xi32, #tpu.memory_space<vmem>>)
      tpu.yield
    }) : () -> ()
    %dma_start3A_29 = arith.constant 0 : i32
    %dma_start3A_30 = arith.constant 0 : i32
    %dma_start3A_31 = tpu.memref_slice %arg4[%dma_start3A_29, %dma_start3A_30] : memref<339x128xi32, #tpu.memory_space<hbm>> -> memref<339x128xi32, #tpu.memory_space<hbm>>
    tpu.enqueue_indirect_dma source(%dma_start3A_31 : memref<339x128xi32, #tpu.memory_space<hbm>>) target(%arg14 : memref<128x128xi32, #tpu.memory_space<vmem>>) offsets(%arg12 : memref<128xi32, #tpu.memory_space<vmem>>) semaphore(%arg18 : memref<!tpu.dma_semaphore, #tpu.memory_space<semaphore_mem>>)
    %dma_start3A_32 = arith.constant 0 : i32
    %dma_start3A_33 = arith.constant 0 : i32
    %dma_start3A_34 = tpu.memref_slice %arg5[%dma_start3A_32, %dma_start3A_33] : memref<399x128xi32, #tpu.memory_space<hbm>> -> memref<399x128xi32, #tpu.memory_space<hbm>>
    tpu.enqueue_indirect_dma source(%dma_start3A_34 : memref<399x128xi32, #tpu.memory_space<hbm>>) target(%arg15 : memref<128x128xi32, #tpu.memory_space<vmem>>) offsets(%arg12 : memref<128xi32, #tpu.memory_space<vmem>>) semaphore(%arg18 : memref<!tpu.dma_semaphore, #tpu.memory_space<semaphore_mem>>)
    %dma_start3A_35 = arith.constant 0 : i32
    %dma_start3A_36 = arith.constant 0 : i32
    %dma_start3A_37 = tpu.memref_slice %arg6[%dma_start3A_35, %dma_start3A_36] : memref<5825x128xi32, #tpu.memory_space<hbm>> -> memref<5825x128xi32, #tpu.memory_space<hbm>>
    tpu.enqueue_indirect_dma source(%dma_start3A_37 : memref<5825x128xi32, #tpu.memory_space<hbm>>) target(%arg16 : memref<128x128xi32, #tpu.memory_space<vmem>>) offsets(%arg13 : memref<128xi32, #tpu.memory_space<vmem>>) semaphore(%arg18 : memref<!tpu.dma_semaphore, #tpu.memory_space<semaphore_mem>>)
    %dma_start3A_38 = arith.constant 0 : i32
    %dma_start3A_39 = arith.constant 0 : i32
    %dma_start3A_40 = tpu.memref_slice %arg7[%dma_start3A_38, %dma_start3A_39] : memref<5825x128xi32, #tpu.memory_space<hbm>> -> memref<5825x128xi32, #tpu.memory_space<hbm>>
    tpu.enqueue_indirect_dma source(%dma_start3A_40 : memref<5825x128xi32, #tpu.memory_space<hbm>>) target(%arg17 : memref<128x128xi32, #tpu.memory_space<vmem>>) offsets(%arg13 : memref<128xi32, #tpu.memory_space<vmem>>) semaphore(%arg18 : memref<!tpu.dma_semaphore, #tpu.memory_space<semaphore_mem>>)
    %dma_wait3A_41 = arith.constant 0 : i32
    %dma_wait3A_42 = arith.constant 0 : i32
    %dma_wait3A_43 = tpu.memref_slice %arg4[%dma_wait3A_41, %dma_wait3A_42] : memref<339x128xi32, #tpu.memory_space<hbm>> -> memref<339x128xi32, #tpu.memory_space<hbm>>
    tpu.wait_indirect_dma semaphore(%arg18 : memref<!tpu.dma_semaphore, #tpu.memory_space<semaphore_mem>>) src(%dma_wait3A_43 : memref<339x128xi32, #tpu.memory_space<hbm>>) dst(%arg14 : memref<128x128xi32, #tpu.memory_space<vmem>>)
    %dma_wait3A_44 = arith.constant 0 : i32
    %dma_wait3A_45 = arith.constant 0 : i32
    %dma_wait3A_46 = tpu.memref_slice %arg5[%dma_wait3A_44, %dma_wait3A_45] : memref<399x128xi32, #tpu.memory_space<hbm>> -> memref<399x128xi32, #tpu.memory_space<hbm>>
    tpu.wait_indirect_dma semaphore(%arg18 : memref<!tpu.dma_semaphore, #tpu.memory_space<semaphore_mem>>) src(%dma_wait3A_46 : memref<399x128xi32, #tpu.memory_space<hbm>>) dst(%arg15 : memref<128x128xi32, #tpu.memory_space<vmem>>)
    %dma_wait3A_47 = arith.constant 0 : i32
    %dma_wait3A_48 = arith.constant 0 : i32
    %dma_wait3A_49 = tpu.memref_slice %arg6[%dma_wait3A_47, %dma_wait3A_48] : memref<5825x128xi32, #tpu.memory_space<hbm>> -> memref<5825x128xi32, #tpu.memory_space<hbm>>
    tpu.wait_indirect_dma semaphore(%arg18 : memref<!tpu.dma_semaphore, #tpu.memory_space<semaphore_mem>>) src(%dma_wait3A_49 : memref<5825x128xi32, #tpu.memory_space<hbm>>) dst(%arg16 : memref<128x128xi32, #tpu.memory_space<vmem>>)
    %dma_wait3A_50 = arith.constant 0 : i32
    %dma_wait3A_51 = arith.constant 0 : i32
    %dma_wait3A_52 = tpu.memref_slice %arg7[%dma_wait3A_50, %dma_wait3A_51] : memref<5825x128xi32, #tpu.memory_space<hbm>> -> memref<5825x128xi32, #tpu.memory_space<hbm>>
    tpu.wait_indirect_dma semaphore(%arg18 : memref<!tpu.dma_semaphore, #tpu.memory_space<semaphore_mem>>) src(%dma_wait3A_52 : memref<5825x128xi32, #tpu.memory_space<hbm>>) dst(%arg17 : memref<128x128xi32, #tpu.memory_space<vmem>>)
    "tpu.region"() ({
      %run_scoped3A = tpu.sem_alloc : memref<!tpu.dma_semaphore, #tpu.memory_space<semaphore_mem>>
      %dma_start3A_53 = arith.constant 0 : i32
      %dma_start3A_54 = tpu.memref_slice %arg8[%add3A_28, %dma_start3A_53] : memref<8192x128xi32, #tpu.memory_space<hbm>> -> memref<128x128xi32, #tpu.memory_space<hbm>>
      %dma_start3A_55 = arith.constant 0 : i32
      %dma_start3A_56 = tpu.memref_slice %arg8[%add3A_28, %dma_start3A_55] : memref<8192x128xi32, #tpu.memory_space<hbm>> -> memref<128x128xi32, #tpu.memory_space<hbm>>
      tpu.enqueue_dma source(%arg14 : memref<128x128xi32, #tpu.memory_space<vmem>>) target(%dma_start3A_56 : memref<128x128xi32, #tpu.memory_space<hbm>>) target_semaphore(%run_scoped3A : memref<!tpu.dma_semaphore, #tpu.memory_space<semaphore_mem>>)
      %dma_wait3A_57 = arith.constant 0 : i32
      %dma_wait3A_58 = tpu.memref_slice %arg8[%add3A_28, %dma_wait3A_57] : memref<8192x128xi32, #tpu.memory_space<hbm>> -> memref<128x128xi32, #tpu.memory_space<hbm>>
      %dma_wait3A_59 = arith.constant 0 : i32
      %dma_wait3A_60 = tpu.memref_slice %arg8[%add3A_28, %dma_wait3A_59] : memref<8192x128xi32, #tpu.memory_space<hbm>> -> memref<128x128xi32, #tpu.memory_space<hbm>>
      tpu.wait_dma2 semaphore(%run_scoped3A : memref<!tpu.dma_semaphore, #tpu.memory_space<semaphore_mem>>) src(%arg14 : memref<128x128xi32, #tpu.memory_space<vmem>>) dst(%dma_wait3A_60 : memref<128x128xi32, #tpu.memory_space<hbm>>)
      tpu.yield
    }) : () -> ()
    "tpu.region"() ({
      %run_scoped3A = tpu.sem_alloc : memref<!tpu.dma_semaphore, #tpu.memory_space<semaphore_mem>>
      %dma_start3A_53 = arith.constant 0 : i32
      %dma_start3A_54 = tpu.memref_slice %arg9[%add3A_28, %dma_start3A_53] : memref<8192x128xi32, #tpu.memory_space<hbm>> -> memref<128x128xi32, #tpu.memory_space<hbm>>
      %dma_start3A_55 = arith.constant 0 : i32
      %dma_start3A_56 = tpu.memref_slice %arg9[%add3A_28, %dma_start3A_55] : memref<8192x128xi32, #tpu.memory_space<hbm>> -> memref<128x128xi32, #tpu.memory_space<hbm>>
      tpu.enqueue_dma source(%arg15 : memref<128x128xi32, #tpu.memory_space<vmem>>) target(%dma_start3A_56 : memref<128x128xi32, #tpu.memory_space<hbm>>) target_semaphore(%run_scoped3A : memref<!tpu.dma_semaphore, #tpu.memory_space<semaphore_mem>>)
      %dma_wait3A_57 = arith.constant 0 : i32
      %dma_wait3A_58 = tpu.memref_slice %arg9[%add3A_28, %dma_wait3A_57] : memref<8192x128xi32, #tpu.memory_space<hbm>> -> memref<128x128xi32, #tpu.memory_space<hbm>>
      %dma_wait3A_59 = arith.constant 0 : i32
      %dma_wait3A_60 = tpu.memref_slice %arg9[%add3A_28, %dma_wait3A_59] : memref<8192x128xi32, #tpu.memory_space<hbm>> -> memref<128x128xi32, #tpu.memory_space<hbm>>
      tpu.wait_dma2 semaphore(%run_scoped3A : memref<!tpu.dma_semaphore, #tpu.memory_space<semaphore_mem>>) src(%arg15 : memref<128x128xi32, #tpu.memory_space<vmem>>) dst(%dma_wait3A_60 : memref<128x128xi32, #tpu.memory_space<hbm>>)
      tpu.yield
    }) : () -> ()
    "tpu.region"() ({
      %run_scoped3A = tpu.sem_alloc : memref<!tpu.dma_semaphore, #tpu.memory_space<semaphore_mem>>
      %dma_start3A_53 = arith.constant 0 : i32
      %dma_start3A_54 = tpu.memref_slice %arg10[%add3A_28, %dma_start3A_53] : memref<8192x128xi32, #tpu.memory_space<hbm>> -> memref<128x128xi32, #tpu.memory_space<hbm>>
      %dma_start3A_55 = arith.constant 0 : i32
      %dma_start3A_56 = tpu.memref_slice %arg10[%add3A_28, %dma_start3A_55] : memref<8192x128xi32, #tpu.memory_space<hbm>> -> memref<128x128xi32, #tpu.memory_space<hbm>>
      tpu.enqueue_dma source(%arg16 : memref<128x128xi32, #tpu.memory_space<vmem>>) target(%dma_start3A_56 : memref<128x128xi32, #tpu.memory_space<hbm>>) target_semaphore(%run_scoped3A : memref<!tpu.dma_semaphore, #tpu.memory_space<semaphore_mem>>)
      %dma_wait3A_57 = arith.constant 0 : i32
      %dma_wait3A_58 = tpu.memref_slice %arg10[%add3A_28, %dma_wait3A_57] : memref<8192x128xi32, #tpu.memory_space<hbm>> -> memref<128x128xi32, #tpu.memory_space<hbm>>
      %dma_wait3A_59 = arith.constant 0 : i32
      %dma_wait3A_60 = tpu.memref_slice %arg10[%add3A_28, %dma_wait3A_59] : memref<8192x128xi32, #tpu.memory_space<hbm>> -> memref<128x128xi32, #tpu.memory_space<hbm>>
      tpu.wait_dma2 semaphore(%run_scoped3A : memref<!tpu.dma_semaphore, #tpu.memory_space<semaphore_mem>>) src(%arg16 : memref<128x128xi32, #tpu.memory_space<vmem>>) dst(%dma_wait3A_60 : memref<128x128xi32, #tpu.memory_space<hbm>>)
      tpu.yield
    }) : () -> ()
    "tpu.region"() ({
      %run_scoped3A = tpu.sem_alloc : memref<!tpu.dma_semaphore, #tpu.memory_space<semaphore_mem>>
      %dma_start3A_53 = arith.constant 0 : i32
      %dma_start3A_54 = tpu.memref_slice %arg11[%add3A_28, %dma_start3A_53] : memref<8192x128xi32, #tpu.memory_space<hbm>> -> memref<128x128xi32, #tpu.memory_space<hbm>>
      %dma_start3A_55 = arith.constant 0 : i32
      %dma_start3A_56 = tpu.memref_slice %arg11[%add3A_28, %dma_start3A_55] : memref<8192x128xi32, #tpu.memory_space<hbm>> -> memref<128x128xi32, #tpu.memory_space<hbm>>
      tpu.enqueue_dma source(%arg17 : memref<128x128xi32, #tpu.memory_space<vmem>>) target(%dma_start3A_56 : memref<128x128xi32, #tpu.memory_space<hbm>>) target_semaphore(%run_scoped3A : memref<!tpu.dma_semaphore, #tpu.memory_space<semaphore_mem>>)
      %dma_wait3A_57 = arith.constant 0 : i32
      %dma_wait3A_58 = tpu.memref_slice %arg11[%add3A_28, %dma_wait3A_57] : memref<8192x128xi32, #tpu.memory_space<hbm>> -> memref<128x128xi32, #tpu.memory_space<hbm>>
      %dma_wait3A_59 = arith.constant 0 : i32
      %dma_wait3A_60 = tpu.memref_slice %arg11[%add3A_28, %dma_wait3A_59] : memref<8192x128xi32, #tpu.memory_space<hbm>> -> memref<128x128xi32, #tpu.memory_space<hbm>>
      tpu.wait_dma2 semaphore(%run_scoped3A : memref<!tpu.dma_semaphore, #tpu.memory_space<semaphore_mem>>) src(%arg17 : memref<128x128xi32, #tpu.memory_space<vmem>>) dst(%dma_wait3A_60 : memref<128x128xi32, #tpu.memory_space<hbm>>)
      tpu.yield
    }) : () -> ()
    return
  }
}

module attributes {stable_mosaic.version = 14 : i64} {
  func.func @_pack_body(%arg0: memref<399x256xf32, #tpu.memory_space<vmem>>, %arg1: memref<5825x256xf32, #tpu.memory_space<vmem>>, %arg2: memref<399x128xi32, #tpu.memory_space<vmem>>, %arg3: memref<5825x128xi32, #tpu.memory_space<vmem>>) attributes {dimension_semantics = [], scalar_prefetch = 0 : i64, scratch_operands = 0 : i64, tpu.core_type = #tpu.core_type<tc>} {
    %get3A = arith.constant 0 : index
    %get3A_0 = arith.constant 0 : index
    %get3A_1 = vector.load %arg0[%get3A, %get3A_0] : memref<399x256xf32, #tpu.memory_space<vmem>>, vector<399x256xf32>
    %slice3A = vector.extract_strided_slice %get3A_1 {offsets = [0, 0], sizes = [399, 128], strides = [1, 1]} : vector<399x256xf32> to vector<399x128xf32>
    %convert_element_type3A = arith.truncf %slice3A : vector<399x128xf32> to vector<399x128xbf16>
    %bitcast_convert_type3A = tpu.bitcast %convert_element_type3A : vector<399x128xbf16> -> vector<399x128xi16>
    %slice3A_2 = vector.extract_strided_slice %get3A_1 {offsets = [0, 128], sizes = [399, 128], strides = [1, 1]} : vector<399x256xf32> to vector<399x128xf32>
    %convert_element_type3A_3 = arith.truncf %slice3A_2 : vector<399x128xf32> to vector<399x128xbf16>
    %bitcast_convert_type3A_4 = tpu.bitcast %convert_element_type3A_3 : vector<399x128xbf16> -> vector<399x128xi16>
    %convert_element_type3A_5 = arith.extui %bitcast_convert_type3A : vector<399x128xi16> to vector<399x128xi32>
    %convert_element_type3A_6 = arith.extui %bitcast_convert_type3A_4 : vector<399x128xi16> to vector<399x128xi32>
    %shift_left3A = arith.constant 16 : i32
    %shift_left3A_7 = vector.broadcast %shift_left3A : i32 to vector<399x128xi32>
    %shift_left3A_8 = arith.shli %convert_element_type3A_6, %shift_left3A_7 : vector<399x128xi32>
    %or3A = arith.ori %convert_element_type3A_5, %shift_left3A_8 : vector<399x128xi32>
    %bitcast_convert_type3A_9 = tpu.bitcast %or3A : vector<399x128xi32> -> vector<399x128xi32>
    %swap3A = arith.constant 0 : index
    %swap3A_10 = arith.constant 0 : index
    %swap3A_11 = vector.load %arg2[%swap3A, %swap3A_10] : memref<399x128xi32, #tpu.memory_space<vmem>>, vector<399x128xi32>
    tpu.vector_store %arg2[%swap3A, %swap3A_10], %bitcast_convert_type3A_9 {strides = array<i32>} : memref<399x128xi32, #tpu.memory_space<vmem>>, vector<399x128xi32>,
    %get3A_12 = arith.constant 0 : index
    %get3A_13 = arith.constant 0 : index
    %get3A_14 = vector.load %arg1[%get3A_12, %get3A_13] : memref<5825x256xf32, #tpu.memory_space<vmem>>, vector<5825x256xf32>
    %slice3A_15 = vector.extract_strided_slice %get3A_14 {offsets = [0, 0], sizes = [5825, 128], strides = [1, 1]} : vector<5825x256xf32> to vector<5825x128xf32>
    %convert_element_type3A_16 = arith.truncf %slice3A_15 : vector<5825x128xf32> to vector<5825x128xbf16>
    %bitcast_convert_type3A_17 = tpu.bitcast %convert_element_type3A_16 : vector<5825x128xbf16> -> vector<5825x128xi16>
    %slice3A_18 = vector.extract_strided_slice %get3A_14 {offsets = [0, 128], sizes = [5825, 128], strides = [1, 1]} : vector<5825x256xf32> to vector<5825x128xf32>
    %convert_element_type3A_19 = arith.truncf %slice3A_18 : vector<5825x128xf32> to vector<5825x128xbf16>
    %bitcast_convert_type3A_20 = tpu.bitcast %convert_element_type3A_19 : vector<5825x128xbf16> -> vector<5825x128xi16>
    %convert_element_type3A_21 = arith.extui %bitcast_convert_type3A_17 : vector<5825x128xi16> to vector<5825x128xi32>
    %convert_element_type3A_22 = arith.extui %bitcast_convert_type3A_20 : vector<5825x128xi16> to vector<5825x128xi32>
    %shift_left3A_23 = arith.constant 16 : i32
    %shift_left3A_24 = vector.broadcast %shift_left3A_23 : i32 to vector<5825x128xi32>
    %shift_left3A_25 = arith.shli %convert_element_type3A_22, %shift_left3A_24 : vector<5825x128xi32>
    %or3A_26 = arith.ori %convert_element_type3A_21, %shift_left3A_25 : vector<5825x128xi32>
    %bitcast_convert_type3A_27 = tpu.bitcast %or3A_26 : vector<5825x128xi32> -> vector<5825x128xi32>
    %swap3A_28 = arith.constant 0 : index
    %swap3A_29 = arith.constant 0 : index
    %swap3A_30 = vector.load %arg3[%swap3A_28, %swap3A_29] : memref<5825x128xi32, #tpu.memory_space<vmem>>, vector<5825x128xi32>
    tpu.vector_store %arg3[%swap3A_28, %swap3A_29], %bitcast_convert_type3A_27 {strides = array<i32>} : memref<5825x128xi32, #tpu.memory_space<vmem>>, vector<5825x128xi32>,
    return
  }
}

module attributes {stable_mosaic.version = 14 : i64} {
  func.func @_tc_body(%arg0: i32, %arg1: memref<2048x128xi32, #tpu.memory_space<vmem>>, %arg2: memref<2048x128xi32, #tpu.memory_space<vmem>>, %arg3: memref<2048x128xi32, #tpu.memory_space<vmem>>, %arg4: memref<2048x128xi32, #tpu.memory_space<vmem>>, %arg5: memref<128x256xf32, #tpu.memory_space<vmem>>, %arg6: memref<128x256xf32, #tpu.memory_space<vmem>>, %arg7: memref<128x256xf32, #tpu.memory_space<vmem>>, %arg8: memref<128x256xf32, #tpu.memory_space<vmem>>, %arg9: memref<1x256xf32, #tpu.memory_space<vmem>>, %arg10: memref<256x128xf32, #tpu.memory_space<vmem>>, %arg11: memref<1x128xf32, #tpu.memory_space<vmem>>, %arg12: memref<128x64xf32, #tpu.memory_space<vmem>>, %arg13: memref<1x64xf32, #tpu.memory_space<vmem>>, %arg14: memref<1x32xf32, #tpu.memory_space<vmem>>, %arg15: memref<1x32xf32, #tpu.memory_space<vmem>>, %arg16: memref<1x64xf32, #tpu.memory_space<vmem>>, %arg17: memref<1x1xf32, #tpu.memory_space<vmem>>, %arg18: memref<2048x1xf32, #tpu.memory_space<vmem>>) attributes {dimension_semantics = [#tpu.dimension_semantics<parallel>], iteration_bounds = array<i64: 4>, scalar_prefetch = 0 : i64, scratch_operands = 0 : i64, tpu.core_type = #tpu.core_type<tc>, window_params = [{transform_indices = @transform_0, window_bounds = array<i64: 2048, 128>}, {transform_indices = @transform_1, window_bounds = array<i64: 2048, 128>}, {transform_indices = @transform_2, window_bounds = array<i64: 2048, 128>}, {transform_indices = @transform_3, window_bounds = array<i64: 2048, 128>}, {pipeline_mode = #tpu.pipeline_mode<synchronous>, transform_indices = @transform_4, window_bounds = array<i64: 128, 256>}, {pipeline_mode = #tpu.pipeline_mode<synchronous>, transform_indices = @transform_5, window_bounds = array<i64: 128, 256>}, {pipeline_mode = #tpu.pipeline_mode<synchronous>, transform_indices = @transform_6, window_bounds = array<i64: 128, 256>}, {pipeline_mode = #tpu.pipeline_mode<synchronous>, transform_indices = @transform_7, window_bounds = array<i64: 128, 256>}, {pipeline_mode = #tpu.pipeline_mode<synchronous>, transform_indices = @transform_8, window_bounds = array<i64: 1, 256>}, {pipeline_mode = #tpu.pipeline_mode<synchronous>, transform_indices = @transform_9, window_bounds = array<i64: 256, 128>}, {pipeline_mode = #tpu.pipeline_mode<synchronous>, transform_indices = @transform_10, window_bounds = array<i64: 1, 128>}, {pipeline_mode = #tpu.pipeline_mode<synchronous>, transform_indices = @transform_11, window_bounds = array<i64: 128, 64>}, {pipeline_mode = #tpu.pipeline_mode<synchronous>, transform_indices = @transform_12, window_bounds = array<i64: 1, 64>}, {pipeline_mode = #tpu.pipeline_mode<synchronous>, transform_indices = @transform_13, window_bounds = array<i64: 1, 32>}, {pipeline_mode = #tpu.pipeline_mode<synchronous>, transform_indices = @transform_14, window_bounds = array<i64: 1, 32>}, {pipeline_mode = #tpu.pipeline_mode<synchronous>, transform_indices = @transform_15, window_bounds = array<i64: 1, 64>}, {pipeline_mode = #tpu.pipeline_mode<synchronous>, transform_indices = @transform_16, window_bounds = array<i64: 1, 1>}, {transform_indices = @transform_17, window_bounds = array<i64: 2048, 1>}]} {
    %get3A = arith.constant 0 : index
    %get3A_0 = arith.constant 0 : index
    %get3A_1 = vector.load %arg2[%get3A, %get3A_0] : memref<2048x128xi32, #tpu.memory_space<vmem>>, vector<2048x128xi32>
    %shift_left3A = arith.constant 16 : i32
    %shift_left3A_2 = vector.broadcast %shift_left3A : i32 to vector<2048x128xi32>
    %shift_left3A_3 = arith.shli %get3A_1, %shift_left3A_2 : vector<2048x128xi32>
    %bitcast_convert_type3A = tpu.bitcast %shift_left3A_3 : vector<2048x128xi32> -> vector<2048x128xf32>
    %and3A = arith.constant -65536 : i32
    %and3A_4 = vector.broadcast %and3A : i32 to vector<2048x128xi32>
    %and3A_5 = arith.andi %get3A_1, %and3A_4 : vector<2048x128xi32>
    %bitcast_convert_type3A_6 = tpu.bitcast %and3A_5 : vector<2048x128xi32> -> vector<2048x128xf32>
    %get3A_7 = arith.constant 0 : index
    %get3A_8 = arith.constant 0 : index
    %get3A_9 = vector.load %arg4[%get3A_7, %get3A_8] : memref<2048x128xi32, #tpu.memory_space<vmem>>, vector<2048x128xi32>
    %shift_left3A_10 = arith.constant 16 : i32
    %shift_left3A_11 = vector.broadcast %shift_left3A_10 : i32 to vector<2048x128xi32>
    %shift_left3A_12 = arith.shli %get3A_9, %shift_left3A_11 : vector<2048x128xi32>
    %bitcast_convert_type3A_13 = tpu.bitcast %shift_left3A_12 : vector<2048x128xi32> -> vector<2048x128xf32>
    %and3A_14 = arith.constant -65536 : i32
    %and3A_15 = vector.broadcast %and3A_14 : i32 to vector<2048x128xi32>
    %and3A_16 = arith.andi %get3A_9, %and3A_15 : vector<2048x128xi32>
    %bitcast_convert_type3A_17 = tpu.bitcast %and3A_16 : vector<2048x128xi32> -> vector<2048x128xf32>
    %get3A_18 = arith.constant 0 : index
    %get3A_19 = arith.constant 0 : index
    %get3A_20 = vector.load %arg5[%get3A_18, %get3A_19] : memref<128x256xf32, #tpu.memory_space<vmem>>, vector<128x256xf32>
    %dot_general3A = arith.constant dense<0.000000e+00> : vector<2048x256xf32>
    %dot_general3A_21 = tpu.matmul %bitcast_convert_type3A, %get3A_20, %dot_general3A {dimension_numbers = #tpu.dot_dimension_numbers<[1], [0], [0], [1], [0, 0, 1, 1], [], []>, transpose_lhs_hint = false} : vector<2048x128xf32>, vector<128x256xf32>, vector<2048x256xf32> -> vector<2048x256xf32>
    %get3A_22 = arith.constant 0 : index
    %get3A_23 = arith.constant 0 : index
    %get3A_24 = vector.load %arg6[%get3A_22, %get3A_23] : memref<128x256xf32, #tpu.memory_space<vmem>>, vector<128x256xf32>
    %dot_general3A_25 = arith.constant dense<0.000000e+00> : vector<2048x256xf32>
    %dot_general3A_26 = tpu.matmul %bitcast_convert_type3A_6, %get3A_24, %dot_general3A_25 {dimension_numbers = #tpu.dot_dimension_numbers<[1], [0], [0], [1], [0, 0, 1, 1], [], []>, transpose_lhs_hint = false} : vector<2048x128xf32>, vector<128x256xf32>, vector<2048x256xf32> -> vector<2048x256xf32>
    %add3A = arith.addf %dot_general3A_21, %dot_general3A_26 : vector<2048x256xf32>
    %get3A_27 = arith.constant 0 : index
    %get3A_28 = arith.constant 0 : index
    %get3A_29 = vector.load %arg7[%get3A_27, %get3A_28] : memref<128x256xf32, #tpu.memory_space<vmem>>, vector<128x256xf32>
    %dot_general3A_30 = arith.constant dense<0.000000e+00> : vector<2048x256xf32>
    %dot_general3A_31 = tpu.matmul %bitcast_convert_type3A_13, %get3A_29, %dot_general3A_30 {dimension_numbers = #tpu.dot_dimension_numbers<[1], [0], [0], [1], [0, 0, 1, 1], [], []>, transpose_lhs_hint = false} : vector<2048x128xf32>, vector<128x256xf32>, vector<2048x256xf32> -> vector<2048x256xf32>
    %add3A_32 = arith.addf %add3A, %dot_general3A_31 : vector<2048x256xf32>
    %get3A_33 = arith.constant 0 : index
    %get3A_34 = arith.constant 0 : index
    %get3A_35 = vector.load %arg8[%get3A_33, %get3A_34] : memref<128x256xf32, #tpu.memory_space<vmem>>, vector<128x256xf32>
    %dot_general3A_36 = arith.constant dense<0.000000e+00> : vector<2048x256xf32>
    %dot_general3A_37 = tpu.matmul %bitcast_convert_type3A_17, %get3A_35, %dot_general3A_36 {dimension_numbers = #tpu.dot_dimension_numbers<[1], [0], [0], [1], [0, 0, 1, 1], [], []>, transpose_lhs_hint = false} : vector<2048x128xf32>, vector<128x256xf32>, vector<2048x256xf32> -> vector<2048x256xf32>
    %add3A_38 = arith.addf %add3A_32, %dot_general3A_37 : vector<2048x256xf32>
    %get3A_39 = arith.constant 0 : index
    %get3A_40 = arith.constant 0 : index
    %get3A_41 = vector.load %arg9[%get3A_39, %get3A_40] : memref<1x256xf32, #tpu.memory_space<vmem>>, vector<1x256xf32>
    %add3A_42 = vector.broadcast %get3A_41 : vector<1x256xf32> to vector<2048x256xf32>
    %add3A_43 = arith.addf %add3A_38, %add3A_42 : vector<2048x256xf32>
    %max3A = arith.constant 0.000000e+00 : f32
    %max3A_44 = vector.broadcast %max3A : f32 to vector<2048x256xf32>
    %max3A_45 = arith.maximumf %add3A_43, %max3A_44 : vector<2048x256xf32>
    %get3A_46 = arith.constant 0 : index
    %get3A_47 = arith.constant 0 : index
    %get3A_48 = vector.load %arg10[%get3A_46, %get3A_47] : memref<256x128xf32, #tpu.memory_space<vmem>>, vector<256x128xf32>
    %dot_general3A_49 = arith.constant dense<0.000000e+00> : vector<2048x128xf32>
    %dot_general3A_50 = tpu.matmul %max3A_45, %get3A_48, %dot_general3A_49 {dimension_numbers = #tpu.dot_dimension_numbers<[1], [0], [0], [1], [0, 0, 1, 1], [], []>, transpose_lhs_hint = false} : vector<2048x256xf32>, vector<256x128xf32>, vector<2048x128xf32> -> vector<2048x128xf32>
    %get3A_51 = arith.constant 0 : index
    %get3A_52 = arith.constant 0 : index
    %get3A_53 = vector.load %arg11[%get3A_51, %get3A_52] : memref<1x128xf32, #tpu.memory_space<vmem>>, vector<1x128xf32>
    %add3A_54 = vector.broadcast %get3A_53 : vector<1x128xf32> to vector<2048x128xf32>
    %add3A_55 = arith.addf %dot_general3A_50, %add3A_54 : vector<2048x128xf32>
    %max3A_56 = arith.constant 0.000000e+00 : f32
    %max3A_57 = vector.broadcast %max3A_56 : f32 to vector<2048x128xf32>
    %max3A_58 = arith.maximumf %add3A_55, %max3A_57 : vector<2048x128xf32>
    %get3A_59 = arith.constant 0 : index
    %get3A_60 = arith.constant 0 : index
    %get3A_61 = vector.load %arg12[%get3A_59, %get3A_60] : memref<128x64xf32, #tpu.memory_space<vmem>>, vector<128x64xf32>
    %dot_general3A_62 = arith.constant dense<0.000000e+00> : vector<2048x64xf32>
    %dot_general3A_63 = tpu.matmul %max3A_58, %get3A_61, %dot_general3A_62 {dimension_numbers = #tpu.dot_dimension_numbers<[1], [0], [0], [1], [0, 0, 1, 1], [], []>, transpose_lhs_hint = false} : vector<2048x128xf32>, vector<128x64xf32>, vector<2048x64xf32> -> vector<2048x64xf32>
    %get3A_64 = arith.constant 0 : index
    %get3A_65 = arith.constant 0 : index
    %get3A_66 = vector.load %arg13[%get3A_64, %get3A_65] : memref<1x64xf32, #tpu.memory_space<vmem>>, vector<1x64xf32>
    %add3A_67 = vector.broadcast %get3A_66 : vector<1x64xf32> to vector<2048x64xf32>
    %add3A_68 = arith.addf %dot_general3A_63, %add3A_67 : vector<2048x64xf32>
    %max3A_69 = arith.constant 0.000000e+00 : f32
    %max3A_70 = vector.broadcast %max3A_69 : f32 to vector<2048x64xf32>
    %max3A_71 = arith.maximumf %add3A_68, %max3A_70 : vector<2048x64xf32>
    %get3A_72 = arith.constant 0 : index
    %get3A_73 = arith.constant 0 : index
    %get3A_74 = vector.load %arg1[%get3A_72, %get3A_73] : memref<2048x128xi32, #tpu.memory_space<vmem>>, vector<2048x32xi32>
    %shift_left3A_75 = arith.constant 16 : i32
    %shift_left3A_76 = vector.broadcast %shift_left3A_75 : i32 to vector<2048x32xi32>
    %shift_left3A_77 = arith.shli %get3A_74, %shift_left3A_76 : vector<2048x32xi32>
    %bitcast_convert_type3A_78 = tpu.bitcast %shift_left3A_77 : vector<2048x32xi32> -> vector<2048x32xf32>
    %and3A_79 = arith.constant -65536 : i32
    %and3A_80 = vector.broadcast %and3A_79 : i32 to vector<2048x32xi32>
    %and3A_81 = arith.andi %get3A_74, %and3A_80 : vector<2048x32xi32>
    %bitcast_convert_type3A_82 = tpu.bitcast %and3A_81 : vector<2048x32xi32> -> vector<2048x32xf32>
    %get3A_83 = arith.constant 0 : index
    %get3A_84 = arith.constant 0 : index
    %get3A_85 = vector.load %arg3[%get3A_83, %get3A_84] : memref<2048x128xi32, #tpu.memory_space<vmem>>, vector<2048x32xi32>
    %shift_left3A_86 = arith.constant 16 : i32
    %shift_left3A_87 = vector.broadcast %shift_left3A_86 : i32 to vector<2048x32xi32>
    %shift_left3A_88 = arith.shli %get3A_85, %shift_left3A_87 : vector<2048x32xi32>
    %bitcast_convert_type3A_89 = tpu.bitcast %shift_left3A_88 : vector<2048x32xi32> -> vector<2048x32xf32>
    %and3A_90 = arith.constant -65536 : i32
    %and3A_91 = vector.broadcast %and3A_90 : i32 to vector<2048x32xi32>
    %and3A_92 = arith.andi %get3A_85, %and3A_91 : vector<2048x32xi32>
    %bitcast_convert_type3A_93 = tpu.bitcast %and3A_92 : vector<2048x32xi32> -> vector<2048x32xf32>
    %mul3A = arith.mulf %bitcast_convert_type3A_78, %bitcast_convert_type3A_89 : vector<2048x32xf32>
    %get3A_94 = arith.constant 0 : index
    %get3A_95 = arith.constant 0 : index
    %get3A_96 = vector.load %arg14[%get3A_94, %get3A_95] : memref<1x32xf32, #tpu.memory_space<vmem>>, vector<1x32xf32>
    %mul3A_97 = vector.broadcast %get3A_96 : vector<1x32xf32> to vector<2048x32xf32>
    %mul3A_98 = arith.mulf %mul3A, %mul3A_97 : vector<2048x32xf32>
    %reduce_sum3A = arith.constant dense<0.000000e+00> : vector<2048xf32>
    %reduce_sum3A_99 = vector.multi_reduction <add>, %mul3A_98, %reduce_sum3A [1] : vector<2048x32xf32> to vector<2048xf32>
    %broadcast_in_dim3A = vector.shape_cast %reduce_sum3A_99 : vector<2048xf32> to vector<2048x1xf32>
    %mul3A_100 = arith.mulf %bitcast_convert_type3A_82, %bitcast_convert_type3A_93 : vector<2048x32xf32>
    %get3A_101 = arith.constant 0 : index
    %get3A_102 = arith.constant 0 : index
    %get3A_103 = vector.load %arg15[%get3A_101, %get3A_102] : memref<1x32xf32, #tpu.memory_space<vmem>>, vector<1x32xf32>
    %mul3A_104 = vector.broadcast %get3A_103 : vector<1x32xf32> to vector<2048x32xf32>
    %mul3A_105 = arith.mulf %mul3A_100, %mul3A_104 : vector<2048x32xf32>
    %reduce_sum3A_106 = arith.constant dense<0.000000e+00> : vector<2048xf32>
    %reduce_sum3A_107 = vector.multi_reduction <add>, %mul3A_105, %reduce_sum3A_106 [1] : vector<2048x32xf32> to vector<2048xf32>
    %broadcast_in_dim3A_108 = vector.shape_cast %reduce_sum3A_107 : vector<2048xf32> to vector<2048x1xf32>
    %add3A_109 = arith.addf %broadcast_in_dim3A, %broadcast_in_dim3A_108 : vector<2048x1xf32>
    %get3A_110 = arith.constant 0 : index
    %get3A_111 = arith.constant 0 : index
    %get3A_112 = vector.load %arg16[%get3A_110, %get3A_111] : memref<1x64xf32, #tpu.memory_space<vmem>>, vector<1x64xf32>
    %mul3A_113 = vector.broadcast %get3A_112 : vector<1x64xf32> to vector<2048x64xf32>
    %mul3A_114 = arith.mulf %max3A_71, %mul3A_113 : vector<2048x64xf32>
    %reduce_sum3A_115 = arith.constant dense<0.000000e+00> : vector<2048xf32>
    %reduce_sum3A_116 = vector.multi_reduction <add>, %mul3A_114, %reduce_sum3A_115 [1] : vector<2048x64xf32> to vector<2048xf32>
    %broadcast_in_dim3A_117 = vector.shape_cast %reduce_sum3A_116 : vector<2048xf32> to vector<2048x1xf32>
    %add3A_118 = arith.addf %add3A_109, %broadcast_in_dim3A_117 : vector<2048x1xf32>
    %get3A_119 = arith.constant 0 : index
    %get3A_120 = arith.constant 0 : index
    %get3A_121 = vector.load %arg17[%get3A_119, %get3A_120] : memref<1x1xf32, #tpu.memory_space<vmem>>, vector<1x1xf32>
    %get3A_122 = vector.extract %get3A_121[0, 0] : f32 from vector<1x1xf32>
    %add3A_123 = vector.broadcast %get3A_122 : f32 to vector<2048x1xf32>
    %add3A_124 = arith.addf %add3A_118, %add3A_123 : vector<2048x1xf32>
    %swap3A = arith.constant 0 : index
    %swap3A_125 = arith.constant 0 : index
    %swap3A_126 = vector.load %arg18[%swap3A, %swap3A_125] : memref<2048x1xf32, #tpu.memory_space<vmem>>, vector<2048x1xf32>
    tpu.vector_store %arg18[%swap3A, %swap3A_125], %add3A_124 {strides = array<i32>} : memref<2048x1xf32, #tpu.memory_space<vmem>>, vector<2048x1xf32>,
    return
  }
  func.func @transform_0(%arg0: i32) -> (i32, i32) {
    %c0_i32 = arith.constant 0 : i32
    %c0_i32_0 = arith.constant 0 : i32
    return %arg0, %c0_i32 : i32, i32
  }
  func.func @transform_1(%arg0: i32) -> (i32, i32) {
    %c0_i32 = arith.constant 0 : i32
    %c0_i32_0 = arith.constant 0 : i32
    return %arg0, %c0_i32 : i32, i32
  }
  func.func @transform_2(%arg0: i32) -> (i32, i32) {
    %c0_i32 = arith.constant 0 : i32
    %c0_i32_0 = arith.constant 0 : i32
    return %arg0, %c0_i32 : i32, i32
  }
  func.func @transform_3(%arg0: i32) -> (i32, i32) {
    %c0_i32 = arith.constant 0 : i32
    %c0_i32_0 = arith.constant 0 : i32
    return %arg0, %c0_i32 : i32, i32
  }
  func.func @transform_4(%arg0: i32) -> (i32, i32) {
    %c0_i32 = arith.constant 0 : i32
    %c0_i32_0 = arith.constant 0 : i32
    %c0_i32_1 = arith.constant 0 : i32
    return %c0_i32, %c0_i32_0 : i32, i32
  }
  func.func @transform_5(%arg0: i32) -> (i32, i32) {
    %c0_i32 = arith.constant 0 : i32
    %c0_i32_0 = arith.constant 0 : i32
    %c0_i32_1 = arith.constant 0 : i32
    return %c0_i32, %c0_i32_0 : i32, i32
  }
  func.func @transform_6(%arg0: i32) -> (i32, i32) {
    %c0_i32 = arith.constant 0 : i32
    %c0_i32_0 = arith.constant 0 : i32
    %c0_i32_1 = arith.constant 0 : i32
    return %c0_i32, %c0_i32_0 : i32, i32
  }
  func.func @transform_7(%arg0: i32) -> (i32, i32) {
    %c0_i32 = arith.constant 0 : i32
    %c0_i32_0 = arith.constant 0 : i32
    %c0_i32_1 = arith.constant 0 : i32
    return %c0_i32, %c0_i32_0 : i32, i32
  }
  func.func @transform_8(%arg0: i32) -> (i32, i32) {
    %c0_i32 = arith.constant 0 : i32
    %c0_i32_0 = arith.constant 0 : i32
    %c0_i32_1 = arith.constant 0 : i32
    return %c0_i32, %c0_i32_0 : i32, i32
  }
  func.func @transform_9(%arg0: i32) -> (i32, i32) {
    %c0_i32 = arith.constant 0 : i32
    %c0_i32_0 = arith.constant 0 : i32
    %c0_i32_1 = arith.constant 0 : i32
    return %c0_i32, %c0_i32_0 : i32, i32
  }
  func.func @transform_10(%arg0: i32) -> (i32, i32) {
    %c0_i32 = arith.constant 0 : i32
    %c0_i32_0 = arith.constant 0 : i32
    %c0_i32_1 = arith.constant 0 : i32
    return %c0_i32, %c0_i32_0 : i32, i32
  }
  func.func @transform_11(%arg0: i32) -> (i32, i32) {
    %c0_i32 = arith.constant 0 : i32
    %c0_i32_0 = arith.constant 0 : i32
    %c0_i32_1 = arith.constant 0 : i32
    return %c0_i32, %c0_i32_0 : i32, i32
  }
  func.func @transform_12(%arg0: i32) -> (i32, i32) {
    %c0_i32 = arith.constant 0 : i32
    %c0_i32_0 = arith.constant 0 : i32
    %c0_i32_1 = arith.constant 0 : i32
    return %c0_i32, %c0_i32_0 : i32, i32
  }
  func.func @transform_13(%arg0: i32) -> (i32, i32) {
    %c0_i32 = arith.constant 0 : i32
    %c0_i32_0 = arith.constant 0 : i32
    %c0_i32_1 = arith.constant 0 : i32
    return %c0_i32, %c0_i32_0 : i32, i32
  }
  func.func @transform_14(%arg0: i32) -> (i32, i32) {
    %c0_i32 = arith.constant 0 : i32
    %c0_i32_0 = arith.constant 0 : i32
    %c0_i32_1 = arith.constant 0 : i32
    return %c0_i32, %c0_i32_0 : i32, i32
  }
  func.func @transform_15(%arg0: i32) -> (i32, i32) {
    %c0_i32 = arith.constant 0 : i32
    %c0_i32_0 = arith.constant 0 : i32
    %c0_i32_1 = arith.constant 0 : i32
    return %c0_i32, %c0_i32_0 : i32, i32
  }
  func.func @transform_16(%arg0: i32) -> (i32, i32) {
    %c0_i32 = arith.constant 0 : i32
    %c0_i32_0 = arith.constant 0 : i32
    %c0_i32_1 = arith.constant 0 : i32
    return %c0_i32, %c0_i32_0 : i32, i32
  }
  func.func @transform_17(%arg0: i32) -> (i32, i32) {
    %c0_i32 = arith.constant 0 : i32
    %c0_i32_0 = arith.constant 0 : i32
    return %arg0, %c0_i32 : i32, i32
  }
}

</mosaic_0001>

<sc_bundles>
// kernel: kernel.10.cloned.1.call-start
scs
__scs_entry_jumppad:
0x0: {  	(pc) =	sbr.rel $0x88, $3  }
0x1: {  	(tag) =	ssettag $0x0;
	lr =	simm.s32 $0x1  }
0x2: {  	[smem:$0x3F93] =	sst lr;
	_ =	strace $0xD0000000  }
0x3: {  	_ = 	snop  }
0x4: {  	_ = 	snop  }
0x5: {  	_ = 	snop  }
0x6: {  	_ = 	snop  }
0x7: {  	_ = 	snop  }
__scs_overlays_trampoline_lowered:
0x8: {  	[smem:$0x3FA2] =	sst s0  }
0x9: {  	[smem:$0x3FA3] =	sst s1  }
0xa: {  	[smem:$0x3FA4] =	sst s2  }
0xb: {  	[smem:$0x3FA5] =	sst s3  }
0xc: {  	[smem:$0x3FA6] =	sst s4  }
0xd: {  	[smem:$0x3FA7] =	sst s5  }
0xe: {  	[smem:$0x3FA8] =	sst s6  }
0xf: {  	[smem:$0x3FA9] =	sst s7  }
0x10: {  	[smem:$0x3FAA] =	sst s8  }
0x11: {  	[smem:$0x3FAB] =	sst s9;
	s0 =	simm.s32 @!p0 $0x0  }
0x12: {  	s1 =	sld [smem:$0x3F91];
	s0 =	simm.s32 @p0 $0x1  }
0x13: {  	[smem:$0x3FAC] =	sst s0;
	s0 =	simm.s32 @!p1 $0x0  }
0x14: {  	s2 =	sld [smem:$0x3F90];
	s0 =	simm.s32 @p1 $0x1  }
0x15: {  	[smem:$0x3FAD] =	sst s0;
	s0 =	simm.s32 @!p2 $0x0  }
0x16: {  	s3 =	sld [smem:$0x3FDB];
	s0 =	simm.s32 @p2 $0x1  }
0x17: {  	s4 =	simm.s32 $0x1BF5;
	[smem:$0x3FAF] =	sst s0  }
0x18: {  	s0 =	sld [smem:$0x3F92];
	_ =	swait.ge [sflag:s4], $0x0  }
0x19: {  	s7 =	sld [smem:$0x3F93]  }
0x1a: {  	s8 =	sadd.s32 $0xFFFFE003, lr  }
0x1b: {  	s9 =	sadd.s32 $0xFFFFFEF7, lr;
	s5 =	simm.s32 $0xFFFFFFFF;
	p2 =	slt.u32 s8, $0xFFFFF086  }
0x1c: {  	p1 =	slt.u32 s9, $0xF7A;
	s5 =	simm.s32 @!p2 $0x0  }
0x1d: {  	s5 =	simm.s32 @p1 $0x1;
	p0 =	seq.s32 s7, s2  }
0x1e: {  	s7 =	smul.u32 @!p0 $0xF7A, s2;
	p2 =	seq.s32 @!p0 s5, $0x0  }
0x1f: {  	s9 =	smul.u32 $0xF7A, s1;
	s8 =	simm.s32 @!p0 $0x1BF5;
	p2 =	por !p2, p0  }
0x20: {  	[sflag:s8] =	ssyncset.s32 @!p0 $0xFFFFF086;
	s6 =	sadd.s32 @!p0 s3, s7;
	s7 =	simm.s32 @!p0 $0x108  }
0x21: {  	s3 =	sadd.s32 s3, s9;
	s6 =	sadd.s32 @!p0 $0x88, s6;
	s7 =	simm.s32 @p2 $0x1082  }
0x22: {  	[simem:s7], [sflag:s8] =	dma.local @!p0 [hbm:s6], $0xF7A  }
0x23: {  	s9 =	sor.u32 $0xD0000000, s2;
	s6 =	simm.s32 $0x108;
	_ =	swait.ge @!p0 [sflag:s8], $0x0  }
0x24: {  	s3 =	sadd.s32 $0x88, s3;
	s6 =	simm.s32 @!p1 $0x1082;
	[sflag:s4] =	ssyncset.s32 $0xFFFFF086  }
0x25: {  	[simem:s6], [sflag:s4] =	dma.local [hbm:s3], $0xF7A  }
0x26: {  	[smem:$0x3F93] =	sst s1;
	(tag) =	ssettag s2;
	_ =	strace s9  }
0x27: {  	s1 =	sld [smem:$0x3FA3]  }
0x28: {  	s2 =	sld [smem:$0x3FA4]  }
0x29: {  	s4 =	sld [smem:$0x3FA6]  }
0x2a: {  	p0 =	seq.s32 s5, $0x0;
	s5 =	sld [smem:$0x3FA7]  }
0x2b: {  	s6 =	sld [smem:$0x3FA8]  }
0x2c: {  	s7 =	sld [smem:$0x3FA9]  }
0x2d: {  	s3 =	simm.s32 $0x108;
	s8 =	sld [smem:$0x3FAA]  }
0x2e: {  	s3 =	simm.s32 @!p0 $0x1082;
	s9 =	sld [smem:$0x3FAB]  }
0x2f: {  	lr =	sadd.s32 s0, s3;
	s0 =	sld [smem:$0x3FA2]  }
0x30: {  	s3 =	sld [smem:$0x3FA5]  }
0x31: {  	[smem:$0x3FAE] =	sst s10  }
0x32: {  	s10 =	sld [smem:$0x3FAC];
	_ =	sdelay $0x3  }
0x33: {  	p0 =	seq.s32 s10, $0x1;
	s10 =	sld [smem:$0x3FAE];
	_ =	sdelay $0x3  }
0x34: {  	[smem:$0x3FAE] =	sst s10  }
0x35: {  	s10 =	sld [smem:$0x3FAD];
	_ =	sdelay $0x3  }
0x36: {  	p1 =	seq.s32 s10, $0x1;
	s10 =	sld [smem:$0x3FAE];
	_ =	sdelay $0x3  }
0x37: {  	[smem:$0x3FAE] =	sst s10  }
0x38: {  	s10 =	sld [smem:$0x3FAF]  }
0x39: {  	_ = 	snop;
	(pc) =	sbr.ind lr, $3  }
0x3a: {  	_ = 	snop  }
0x3b: {  	_ = 	snop  }
0x3c: {  	p2 =	seq.s32 s10, $0x1;
	s10 =	sld [smem:$0x3FAE]  }
0x3d: {  	_ =	shalt  }
0x3e: {  	_ =	shalt  }
0x3f: {  	_ =	shalt  }
0x40: {  	_ =	shalt  }
0x41: {  	_ =	shalt  }
0x42: {  	_ =	shalt  }
0x43: {  	_ =	shalt  }
0x44: {  	_ =	shalt  }
0x45: {  	_ =	shalt  }
0x46: {  	_ =	shalt  }
0x47: {  	_ =	shalt  }
0x48: {  	_ =	shalt  }
0x49: {  	_ =	shalt  }
0x4a: {  	_ =	shalt  }
0x4b: {  	_ =	shalt  }
0x4c: {  	_ =	shalt  }
0x4d: {  	_ =	shalt  }
0x4e: {  	_ =	shalt  }
0x4f: {  	_ =	shalt  }
0x50: {  	_ =	shalt  }
0x51: {  	_ =	shalt  }
0x52: {  	_ =	shalt  }
0x53: {  	_ =	shalt  }
0x54: {  	_ =	shalt  }
0x55: {  	_ =	shalt  }
0x56: {  	_ =	shalt  }
0x57: {  	_ =	shalt  }
0x58: {  	_ =	shalt  }
0x59: {  	_ =	shalt  }
0x5a: {  	_ =	shalt  }
0x5b: {  	_ =	shalt  }
0x5c: {  	_ =	shalt  }
0x5d: {  	_ =	shalt  }
0x5e: {  	_ =	shalt  }
0x5f: {  	_ =	shalt  }
0x60: {  	_ =	shalt  }
0x61: {  	_ =	shalt  }
0x62: {  	_ =	shalt  }
0x63: {  	_ =	shalt  }
0x64: {  	_ =	shalt  }
0x65: {  	_ =	shalt  }
0x66: {  	_ =	shalt  }
0x67: {  	_ =	shalt  }
0x68: {  	_ =	shalt  }
0x69: {  	_ =	shalt  }
0x6a: {  	_ =	shalt  }
0x6b: {  	_ =	shalt  }
0x6c: {  	_ =	shalt  }
0x6d: {  	_ =	shalt  }
0x6e: {  	_ =	shalt  }
0x6f: {  	_ =	shalt  }
0x70: {  	_ =	shalt  }
0x71: {  	_ =	shalt  }
0x72: {  	_ =	shalt  }
0x73: {  	_ =	shalt  }
0x74: {  	_ =	shalt  }
0x75: {  	_ =	shalt  }
0x76: {  	_ =	shalt  }
0x77: {  	_ =	shalt  }
0x78: {  	_ =	shalt  }
0x79: {  	_ =	shalt  }
0x7a: {  	_ =	shalt  }
0x7b: {  	_ =	shalt  }
0x7c: {  	_ =	shalt  }
0x7d: {  	_ =	shalt  }
0x7e: {  	_ =	shalt  }
0x7f: {  	_ =	shalt  }
0x80: {  	_ =	shalt  }
0x81: {  	_ =	shalt  }
0x82: {  	_ =	shalt  }
0x83: {  	_ =	shalt  }
0x84: {  	_ =	shalt  }
0x85: {  	_ =	shalt  }
0x86: {  	_ =	shalt  }
0x87: {  	_ =	shalt  }
.Lfunc_end0:
.L_simem_size_0:
called_computation.1_lowered:
.L_overlay_start_0:
0x88: {  	s2 =	sld [smem:$0x3FD9]  }
0x89: {  	s3 =	sld [smem:$0x3FFE];
	_ =	sdelay $0x1  }
0x8a: {  	s1 =	srdreg.scid  }
0x8b: {  	s0 =	sand.u32 $0x1, s1  }
0x8c: {  	s16 =	sshll.u32 s0, $0xA;
	s2 =	sadd.s32 s3, s2  }
0x8d: {  	s2 =	sadd.s32 s2, s16  }
0x8e: {  	[smem:$0x3FBA] =	sst s2  }
0x8f: {  	_ = 	snop  }
0x90: {  	(tm) =	ssettm $0x1  }
0x91: {  	s17 =	sld [smem:$0x3FFB];
	_ =	sdelay $0x3  }
0x92: {  	_ =	strace s17  }
0x93: {  	s2 =	sld [smem:$0x3FFC];
	_ =	sdelay $0x3  }
0x94: {  	_ =	strace s2  }
0x95: {  	s2 =	sld [smem:$0x3FFD];
	_ =	sdelay $0x3  }
0x96: {  	_ =	strace s2  }
0x97: {  	_ =	strace $0x8FFFFFFF  }
0x98: {  	s18 =	sld [smem:$0x3FDB];
	_ =	sdelay $0x1  }
0x99: {  	s19 =	simm.s32 $_scs_section_size  }
0x9a: {  	s4 =	simm.s32 $_size__tile_overlayer_lowered;
	s5 =	simm.s32 $_tile_overlayer_lowered  }
0x9b: {  	s22 =	simm.s32 $0x1BFF;
	s21 =	sshll.u32 s5, $0x1;
	s2 =	sadd.s32 s19, s18  }
0x9c: {  	s6 =	simm.s32 $0x0;
	s20 =	sshll.u32 s4, $0x1;
	s4 =	sadd.s32 s21, s2  }
0x9d: {  	[timem:s6], [sflag:s22] =	dma.local [hbm:s4], s20  }
0x9e: {  	_ =	swait.ge [sflag:s22], s20  }
0x9f: {  	s3 =	ssub.s32 $0x0, s20;
	[sflag:s22] =	ssyncset.done $0x0  }
0xa0: {  	[sflag:s22] =	ssyncadd.s32 s3;
	_ =	sdelay $0x1  }
0xa1: {  	s23 =	simm.s32 $0x1B8B  }
0xa2: {  	_ =	swait.ge [sflag:s23], $0x1  }
0xa3: {  	[sflag:s23] =	ssyncset.done $0x0  }
0xa4: {  	s25 =	simm.s32 $0x1B8E;
	s24 =	sld [smem:$0x3FFE];
	[sflag:s23] =	ssyncadd.s32 $0xFFFFFFFF  }
0xa5: {  	s26 =	simm.s32 $execute0_lowered;
	[smem:$0x3FD2] =	sst s25  }
0xa6: {  	s4 =	sshll.u32 s26, $0x1;
	_ =	strace $0x80000046;
	[dreg:$0x1] =	wrdreg $0xFFFFFFFF  }
0xa7: {  	s28 =	simm.s32 $_size_execute0_lowered;
	s2 =	sadd.s32 s2, s4;
	[dreg:$0x0] =	wrdreg $0x0  }
0xa8: {  	s4 =	sshll.u32 s28, $0x1;
	[dreg:$0x2] =	wrdreg s2  }
0xa9: {  	[dreg:$0x3] =	wrdreg s4  }
0xaa: {  	[dreg:$0x4] =	wrdreg $0xC0  }
0xab: {  	_ =	task [dreg:s6], $0x5FFFF  }
0xac: {  	[dreg:$0x1] =	wrdreg $0xFFFFFFFF  }
0xad: {  	[dreg:$0x0] =	wrdreg $0x60  }
0xae: {  	[dreg:$0x2] =	wrdreg s24  }
0xaf: {  	[dreg:$0x3] =	wrdreg $0xA  }
0xb0: {  	_ =	task.clear_ibuf [dreg:s6], $0x4FFFF;
	_ =	strace $0x90000046  }
0xb1: {  	s29 =	simm.s32 $0xA;
	_ =	strace $0x80000048  }
0xb2: {  	_ =	swait.ge [sflag:s29], $0x1  }
0xb3: {  	[sflag:s29] =	ssyncadd.s32 $0xFFFFFFFF  }
0xb4: {  	_ =	strace $0x90000048  }
0xb5: {  	_ =	sfence  }
0xb6: {  	s30 =	sld [smem:$0x0];
	_ =	sdelay $0x2  }
0xb7: {  	s31 =	sshll.u32 s1, $0xD;
	s1 =	sshrl.u32 s1, $0x2  }
0xb8: {  	s3 =	sand.u32 $0x4000, s31;
	s1 =	sadd.s32 s1, s30  }
0xb9: {  	s0 =	sor.u32 s3, s0;
	s1 =	sshll.u32 s1, $0x11  }
0xba: {  	s0 =	sor.u32 s1, s0  }
0xbb: {  	s0 =	sadd.s32 $0x8F2B, s0  }
0xbc: {  	[sflag:s0] =	ssyncadd.remote.s32 $0x1  }
0xbd: {  	_ =	sfence.sel $0xFFFF  }
0xbe: {  	[dreg:$0x0] =	wrdreg $0xFFFFFFFF;
	(pc) =	sbr.abs _section_cstart, $3  }
0xbf: {  	[dreg:$0x1] =	wrdreg $0xFFFFFFFF  }
0xc0: {  	_ =	task.clear_ibuf [dreg:s6], $0x2FFFF;
	_ =	strace $0x9FFFFFFF  }
0xc1: {  	(tm) =	ssettm $0x7FFFFFFF  }
tec
execute0_lowered:
.L_overlay_start_1:
0x0: {  	(tag) =	ssettag $0x1  }
0x1: {  	s1 =	srdreg.scid  }
0x2: {  	s0 =	stileid.u32;
	s24 =	sand.u32 $0x1, s1  }
0x3: {  	s19 =	rddreg [dreg:$0x0];
	s3 =	sshll.u32 s0, $0x9;
	s4 =	sshll.u32 s24, $0x8  }
0x4: {  	s2 =	simm.s32 $0x0;
	s1 =	rddreg [dreg:$0x1];
	s22 =	sor.u32 s4, s3  }
0x5: {  	[smem:$0x7FF] =	sst s2;
	s20 =	sadd.s32 $0x1CE00, s19;
	s5 =	sshrl.u32 s22, $0x3  }
0x6: {  	_ =	strace $0x80000047;
	s3 =	simm.s32 $0x2;
	s4 =	sadd.s32 s20, s5  }
0x7: {  	[tilespmem:s2], [sflag:$0x2] =	stream.linear.gather [hbm4b:s4+s2], $0x80, $0x38;
	[tilespmem:$0x10100] =	vst v63  }
0x8: {  	_ =	swait.ge [sflag:s3], $0x80  }
0x9: {  	s21 =	sadd.s32 $0x1CA00, s19;
	[sflag:s3] =	ssyncset.done $0x0  }
0xa: {  	s6 =	simm.s32 $0x80;
	s5 =	sadd.s32 s21, s5;
	[sflag:s3] =	ssyncadd.s32 $0xFFFFFF80  }
0xb: {  	[tilespmem:s6], [sflag:$0x2] =	stream.linear.gather [hbm4b:s5+s2], $0x80, $0x38;
	[tilespmem:$0x10100] =	vst v63  }
0xc: {  	_ =	swait.ge [sflag:s3], $0x80  }
0xd: {  	[sflag:s3] =	ssyncset.done $0x0  }
0xe: {  	s8 =	simm.s32 $0x100;
	s7 =	sadd.s32 $0x4600, s19;
	[sflag:s3] =	ssyncadd.s32 $0xFFFFFF80  }
0xf: {  	[tilespmem:s8], [sflag:$0x1] =	stream.indirect.gather [hbm4b:s7+s6], $0x80, s2, s6, $0xb8;
	[tilespmem:$0x10100] =	vst v63  }
0x10: {  	s10 =	simm.s32 $0x4100;
	s9 =	sadd.s32 $0x34400, s19  }
0x11: {  	[tilespmem:s10], [sflag:$0x1] =	stream.indirect.gather [hbm4b:s9+s6], $0x80, s2, s6, $0xb8;
	[tilespmem:$0x10100] =	vst v63  }
0x12: {  	s12 =	simm.s32 $0x8100;
	s11 =	sadd.s32 $0x5C00, s19  }
0x13: {  	[tilespmem:s12], [sflag:$0x1] =	stream.indirect.gather [hbm4b:s11+s6], $0x80, s6, s6, $0xb8;
	[tilespmem:$0x10100] =	vst v63  }
0x14: {  	s14 =	simm.s32 $0xC100;
	s15 =	simm.s32 $0x1;
	s13 =	sadd.s32 $0x1D600, s19  }
0x15: {  	[tilespmem:s14], [sflag:$0x1] =	stream.indirect.gather [hbm4b:s13+s6], $0x80, s6, s6, $0xb8;
	[tilespmem:$0x10100] =	vst v63  }
0x16: {  	_ =	swait.ge [sflag:s15], $0x4000  }
0x17: {  	[sflag:s15] =	ssyncset.done $0x0  }
0x18: {  	[sflag:s15] =	ssyncadd.s32 $0xFFFFC000  }
0x19: {  	_ =	swait.ge [sflag:s15], $0x4000  }
0x1a: {  	[sflag:s15] =	ssyncset.done $0x0  }
0x1b: {  	[sflag:s15] =	ssyncadd.s32 $0xFFFFC000  }
0x1c: {  	_ =	swait.ge [sflag:s15], $0x4000  }
0x1d: {  	[sflag:s15] =	ssyncset.done $0x0  }
0x1e: {  	[sflag:s15] =	ssyncadd.s32 $0xFFFFC000  }
0x1f: {  	_ =	swait.ge [sflag:s15], $0x4000  }
0x20: {  	s23 =	sadd.s32 $0x35E00, s19;
	s25 =	sshll.u32 s22, $0x4;
	[sflag:s15] =	ssyncset.done $0x0  }
0x21: {  	s16 =	sadd.s32 s23, s25;
	[sflag:s15] =	ssyncadd.s32 $0xFFFFC000  }
0x22: {  	[hbm4b:s16+s2] =	stream.linear.scatter [tilespmem:s8], [sflag:$0x2], $0x4000, $0x38;
	[tilespmem:$0x10100] =	vst v63  }
0x23: {  	_ =	swait.ge [sflag:s3], $0x4000  }
0x24: {  	s26 =	sadd.s32 $0x55E00, s19;
	[sflag:s3] =	ssyncset.done $0x0  }
0x25: {  	s17 =	sadd.s32 s26, s25;
	[sflag:s3] =	ssyncadd.s32 $0xFFFFC000  }
0x26: {  	[hbm4b:s17+s2] =	stream.linear.scatter [tilespmem:s10], [sflag:$0x2], $0x4000, $0x38;
	[tilespmem:$0x10100] =	vst v63  }
0x27: {  	_ =	swait.ge [sflag:s3], $0x4000  }
0x28: {  	s28 =	sadd.s32 $0x75E00, s19;
	[sflag:s3] =	ssyncset.done $0x0  }
0x29: {  	s18 =	sadd.s32 s28, s25;
	[sflag:s3] =	ssyncadd.s32 $0xFFFFC000  }
0x2a: {  	[hbm4b:s18+s2] =	stream.linear.scatter [tilespmem:s12], [sflag:$0x2], $0x4000, $0x38;
	[tilespmem:$0x10100] =	vst v63  }
0x2b: {  	_ =	swait.ge [sflag:s3], $0x4000  }
0x2c: {  	s29 =	sadd.s32 $0x95E00, s19;
	[sflag:s3] =	ssyncset.done $0x0  }
0x2d: {  	s19 =	sadd.s32 s29, s25;
	[sflag:s3] =	ssyncadd.s32 $0xFFFFC000  }
0x2e: {  	[hbm4b:s19+s2] =	stream.linear.scatter [tilespmem:s14], [sflag:$0x2], $0x4000, $0x38;
	[tilespmem:$0x10100] =	vst v63  }
0x2f: {  	s22 =	sor.u32 $0x80, s22;
	_ =	swait.ge [sflag:s3], $0x4000  }
0x30: {  	s31 =	sshrl.u32 s22, $0x3;
	[sflag:s3] =	ssyncset.done $0x0  }
0x31: {  	s20 =	sadd.s32 s20, s31;
	[sflag:s3] =	ssyncadd.s32 $0xFFFFC000  }
0x32: {  	[tilespmem:s2], [sflag:$0x2] =	stream.linear.gather [hbm4b:s20+s2], $0x80, $0x38;
	[tilespmem:$0x10100] =	vst v63  }
0x33: {  	_ =	swait.ge [sflag:s3], $0x80  }
0x34: {  	[sflag:s3] =	ssyncset.done $0x0  }
0x35: {  	s21 =	sadd.s32 s21, s31;
	[sflag:s3] =	ssyncadd.s32 $0xFFFFFF80  }
0x36: {  	[tilespmem:s6], [sflag:$0x2] =	stream.linear.gather [hbm4b:s21+s2], $0x80, $0x38;
	[tilespmem:$0x10100] =	vst v63  }
0x37: {  	_ =	swait.ge [sflag:s3], $0x80  }
0x38: {  	[sflag:s3] =	ssyncset.done $0x0  }
0x39: {  	[sflag:s3] =	ssyncadd.s32 $0xFFFFFF80  }
0x3a: {  	[tilespmem:s8], [sflag:$0x1] =	stream.indirect.gather [hbm4b:s7+s6], $0x80, s2, s6, $0xb8;
	[tilespmem:$0x10100] =	vst v63  }
0x3b: {  	_ = 	snop  }
0x3c: {  	[tilespmem:s10], [sflag:$0x1] =	stream.indirect.gather [hbm4b:s9+s6], $0x80, s2, s6, $0xb8;
	[tilespmem:$0x10100] =	vst v63  }
0x3d: {  	_ = 	snop  }
0x3e: {  	[tilespmem:s12], [sflag:$0x1] =	stream.indirect.gather [hbm4b:s11+s6], $0x80, s6, s6, $0xb8;
	[tilespmem:$0x10100] =	vst v63  }
0x3f: {  	_ = 	snop  }
0x40: {  	[tilespmem:s14], [sflag:$0x1] =	stream.indirect.gather [hbm4b:s13+s6], $0x80, s6, s6, $0xb8;
	[tilespmem:$0x10100] =	vst v63  }
0x41: {  	_ =	swait.ge [sflag:s15], $0x4000  }
0x42: {  	[sflag:s15] =	ssyncset.done $0x0  }
0x43: {  	[sflag:s15] =	ssyncadd.s32 $0xFFFFC000  }
0x44: {  	_ =	swait.ge [sflag:s15], $0x4000  }
0x45: {  	[sflag:s15] =	ssyncset.done $0x0  }
0x46: {  	[sflag:s15] =	ssyncadd.s32 $0xFFFFC000  }
0x47: {  	_ =	swait.ge [sflag:s15], $0x4000  }
0x48: {  	[sflag:s15] =	ssyncset.done $0x0  }
0x49: {  	[sflag:s15] =	ssyncadd.s32 $0xFFFFC000  }
0x4a: {  	_ =	swait.ge [sflag:s15], $0x4000  }
0x4b: {  	s25 =	sshll.u32 s22, $0x4;
	[sflag:s15] =	ssyncset.done $0x0  }
0x4c: {  	s22 =	sadd.s32 s23, s25;
	[sflag:s15] =	ssyncadd.s32 $0xFFFFC000  }
0x4d: {  	[hbm4b:s22+s2] =	stream.linear.scatter [tilespmem:s8], [sflag:$0x2], $0x4000, $0x38;
	[tilespmem:$0x10100] =	vst v63  }
0x4e: {  	_ =	swait.ge [sflag:s3], $0x4000  }
0x4f: {  	[sflag:s3] =	ssyncset.done $0x0  }
0x50: {  	s30 =	ssub.s32 $0x2, s24;
	s23 =	sadd.s32 s26, s25;
	[sflag:s3] =	ssyncadd.s32 $0xFFFFC000  }
0x51: {  	[hbm4b:s23+s2] =	stream.linear.scatter [tilespmem:s10], [sflag:$0x2], $0x4000, $0x38;
	[tilespmem:$0x10100] =	vst v63  }
0x52: {  	s31 =	sshrl.u32 s30, $0x1;
	_ =	swait.ge [sflag:s3], $0x4000  }
0x53: {  	s26 =	ssub.s32 s30, s31;
	[sflag:s3] =	ssyncset.done $0x0  }
0x54: {  	s24 =	sadd.s32 s28, s25;
	s26 =	smax.u32 s26, $0x1;
	[sflag:s3] =	ssyncadd.s32 $0xFFFFC000  }
0x55: {  	[hbm4b:s24+s2] =	stream.linear.scatter [tilespmem:s12], [sflag:$0x2], $0x4000, $0x38;
	[tilespmem:$0x10100] =	vst v63  }
0x56: {  	p0 =	sne.s32 s26, $0x1;
	_ =	swait.ge [sflag:s3], $0x4000  }
.Ltmp0:
0x57: {  	[sflag:s3] =	ssyncset.done $0x0;
	(pc) =	sbr.rel @!p0 .LBB2_2-.Ltmp0, $4  }
0x58: {  	s25 =	sadd.s32 s29, s25;
	[sflag:s3] =	ssyncadd.s32 $0xFFFFC000  }
0x59: {  	[hbm4b:s25+s2] =	stream.linear.scatter [tilespmem:s14], [sflag:$0x2], $0x4000, $0x38;
	[tilespmem:$0x10100] =	vst v63  }
0x5a: {  	_ =	swait.ge [sflag:s3], $0x4000  }
0x5b: {  	s26 =	sadd.s32 $0xFFFFFFFF, s26;
	[sflag:s3] =	ssyncset.done $0x0  }
.LBB2_1:
0x5c: {  	p0 =	sne.s32 s26, $0x1;
	s26 =	sadd.s32 $0xFFFFFFFF, s26;
	[sflag:s3] =	ssyncadd.s32 $0xFFFFC000  }
0x5d: {  	[tilespmem:s2], [sflag:$0x2] =	stream.linear.gather [hbm4b:s4+s2], $0x80, $0x38;
	[tilespmem:$0x10100] =	vst v63  }
0x5e: {  	_ =	swait.ge [sflag:s3], $0x80  }
0x5f: {  	[sflag:s3] =	ssyncset.done $0x0  }
0x60: {  	[sflag:s3] =	ssyncadd.s32 $0xFFFFFF80  }
0x61: {  	[tilespmem:s6], [sflag:$0x2] =	stream.linear.gather [hbm4b:s5+s2], $0x80, $0x38;
	[tilespmem:$0x10100] =	vst v63  }
0x62: {  	_ =	swait.ge [sflag:s3], $0x80  }
0x63: {  	[sflag:s3] =	ssyncset.done $0x0  }
0x64: {  	[sflag:s3] =	ssyncadd.s32 $0xFFFFFF80  }
0x65: {  	[tilespmem:s8], [sflag:$0x1] =	stream.indirect.gather [hbm4b:s7+s6], $0x80, s2, s6, $0xb8;
	[tilespmem:$0x10100] =	vst v63  }
0x66: {  	_ = 	snop  }
0x67: {  	[tilespmem:s10], [sflag:$0x1] =	stream.indirect.gather [hbm4b:s9+s6], $0x80, s2, s6, $0xb8;
	[tilespmem:$0x10100] =	vst v63  }
0x68: {  	_ = 	snop  }
0x69: {  	[tilespmem:s12], [sflag:$0x1] =	stream.indirect.gather [hbm4b:s11+s6], $0x80, s6, s6, $0xb8;
	[tilespmem:$0x10100] =	vst v63  }
0x6a: {  	_ = 	snop  }
0x6b: {  	[tilespmem:s14], [sflag:$0x1] =	stream.indirect.gather [hbm4b:s13+s6], $0x80, s6, s6, $0xb8;
	[tilespmem:$0x10100] =	vst v63  }
0x6c: {  	_ =	swait.ge [sflag:s15], $0x4000  }
0x6d: {  	[sflag:s15] =	ssyncset.done $0x0  }
0x6e: {  	[sflag:s15] =	ssyncadd.s32 $0xFFFFC000  }
0x6f: {  	_ =	swait.ge [sflag:s15], $0x4000  }
0x70: {  	[sflag:s15] =	ssyncset.done $0x0  }
0x71: {  	[sflag:s15] =	ssyncadd.s32 $0xFFFFC000  }
0x72: {  	_ =	swait.ge [sflag:s15], $0x4000  }
0x73: {  	[sflag:s15] =	ssyncset.done $0x0  }
0x74: {  	[sflag:s15] =	ssyncadd.s32 $0xFFFFC000  }
0x75: {  	_ =	swait.ge [sflag:s15], $0x4000  }
0x76: {  	[sflag:s15] =	ssyncset.done $0x0  }
0x77: {  	[sflag:s15] =	ssyncadd.s32 $0xFFFFC000  }
0x78: {  	[hbm4b:s16+s2] =	stream.linear.scatter [tilespmem:s8], [sflag:$0x2], $0x4000, $0x38;
	[tilespmem:$0x10100] =	vst v63  }
0x79: {  	_ =	swait.ge [sflag:s3], $0x4000  }
0x7a: {  	[sflag:s3] =	ssyncset.done $0x0  }
0x7b: {  	[sflag:s3] =	ssyncadd.s32 $0xFFFFC000  }
0x7c: {  	[hbm4b:s17+s2] =	stream.linear.scatter [tilespmem:s10], [sflag:$0x2], $0x4000, $0x38;
	[tilespmem:$0x10100] =	vst v63  }
0x7d: {  	_ =	swait.ge [sflag:s3], $0x4000  }
0x7e: {  	[sflag:s3] =	ssyncset.done $0x0  }
0x7f: {  	[sflag:s3] =	ssyncadd.s32 $0xFFFFC000  }
0x80: {  	[hbm4b:s18+s2] =	stream.linear.scatter [tilespmem:s12], [sflag:$0x2], $0x4000, $0x38;
	[tilespmem:$0x10100] =	vst v63  }
0x81: {  	_ =	swait.ge [sflag:s3], $0x4000  }
0x82: {  	[sflag:s3] =	ssyncset.done $0x0  }
0x83: {  	[sflag:s3] =	ssyncadd.s32 $0xFFFFC000  }
0x84: {  	[hbm4b:s19+s2] =	stream.linear.scatter [tilespmem:s14], [sflag:$0x2], $0x4000, $0x38;
	[tilespmem:$0x10100] =	vst v63  }
0x85: {  	_ =	swait.ge [sflag:s3], $0x4000  }
0x86: {  	[sflag:s3] =	ssyncset.done $0x0  }
0x87: {  	[sflag:s3] =	ssyncadd.s32 $0xFFFFC000  }
0x88: {  	[tilespmem:s2], [sflag:$0x2] =	stream.linear.gather [hbm4b:s20+s2], $0x80, $0x38;
	[tilespmem:$0x10100] =	vst v63  }
0x89: {  	_ =	swait.ge [sflag:s3], $0x80  }
0x8a: {  	[sflag:s3] =	ssyncset.done $0x0  }
0x8b: {  	[sflag:s3] =	ssyncadd.s32 $0xFFFFFF80  }
0x8c: {  	[tilespmem:s6], [sflag:$0x2] =	stream.linear.gather [hbm4b:s21+s2], $0x80, $0x38;
	[tilespmem:$0x10100] =	vst v63  }
0x8d: {  	_ =	swait.ge [sflag:s3], $0x80  }
0x8e: {  	[sflag:s3] =	ssyncset.done $0x0  }
0x8f: {  	[sflag:s3] =	ssyncadd.s32 $0xFFFFFF80  }
0x90: {  	[tilespmem:s8], [sflag:$0x1] =	stream.indirect.gather [hbm4b:s7+s6], $0x80, s2, s6, $0xb8;
	[tilespmem:$0x10100] =	vst v63  }
0x91: {  	_ = 	snop  }
0x92: {  	[tilespmem:s10], [sflag:$0x1] =	stream.indirect.gather [hbm4b:s9+s6], $0x80, s2, s6, $0xb8;
	[tilespmem:$0x10100] =	vst v63  }
0x93: {  	_ = 	snop  }
0x94: {  	[tilespmem:s12], [sflag:$0x1] =	stream.indirect.gather [hbm4b:s11+s6], $0x80, s6, s6, $0xb8;
	[tilespmem:$0x10100] =	vst v63  }
0x95: {  	_ = 	snop  }
0x96: {  	[tilespmem:s14], [sflag:$0x1] =	stream.indirect.gather [hbm4b:s13+s6], $0x80, s6, s6, $0xb8;
	[tilespmem:$0x10100] =	vst v63  }
0x97: {  	_ =	swait.ge [sflag:s15], $0x4000  }
0x98: {  	[sflag:s15] =	ssyncset.done $0x0  }
0x99: {  	[sflag:s15] =	ssyncadd.s32 $0xFFFFC000  }
0x9a: {  	_ =	swait.ge [sflag:s15], $0x4000  }
0x9b: {  	[sflag:s15] =	ssyncset.done $0x0  }
0x9c: {  	[sflag:s15] =	ssyncadd.s32 $0xFFFFC000  }
0x9d: {  	_ =	swait.ge [sflag:s15], $0x4000  }
0x9e: {  	[sflag:s15] =	ssyncset.done $0x0  }
0x9f: {  	[sflag:s15] =	ssyncadd.s32 $0xFFFFC000  }
0xa0: {  	_ =	swait.ge [sflag:s15], $0x4000  }
0xa1: {  	[sflag:s15] =	ssyncset.done $0x0  }
0xa2: {  	[sflag:s15] =	ssyncadd.s32 $0xFFFFC000  }
0xa3: {  	[hbm4b:s22+s2] =	stream.linear.scatter [tilespmem:s8], [sflag:$0x2], $0x4000, $0x38;
	[tilespmem:$0x10100] =	vst v63  }
0xa4: {  	_ =	swait.ge [sflag:s3], $0x4000  }
0xa5: {  	[sflag:s3] =	ssyncset.done $0x0  }
0xa6: {  	[sflag:s3] =	ssyncadd.s32 $0xFFFFC000  }
0xa7: {  	[hbm4b:s23+s2] =	stream.linear.scatter [tilespmem:s10], [sflag:$0x2], $0x4000, $0x38;
	[tilespmem:$0x10100] =	vst v63  }
0xa8: {  	_ =	swait.ge [sflag:s3], $0x4000  }
0xa9: {  	[sflag:s3] =	ssyncset.done $0x0  }
0xaa: {  	[sflag:s3] =	ssyncadd.s32 $0xFFFFC000  }
0xab: {  	[hbm4b:s24+s2] =	stream.linear.scatter [tilespmem:s12], [sflag:$0x2], $0x4000, $0x38;
	[tilespmem:$0x10100] =	vst v63  }
0xac: {  	_ =	swait.ge [sflag:s3], $0x4000  }
.Ltmp1:
0xad: {  	[sflag:s3] =	ssyncset.done $0x0;
	(pc) =	sbr.rel @p0 .LBB2_1-.Ltmp1, $4  }
0xae: {  	[sflag:s3] =	ssyncadd.s32 $0xFFFFC000  }
0xaf: {  	[hbm4b:s25+s2] =	stream.linear.scatter [tilespmem:s14], [sflag:$0x2], $0x4000, $0x38;
	[tilespmem:$0x10100] =	vst v63  }
0xb0: {  	_ =	swait.ge [sflag:s3], $0x4000  }
0xb1: {  	[sflag:s3] =	ssyncset.done $0x0  }
.LBB2_2:
0xb2: {  	[sflag:s3] =	ssyncadd.s32 $0xFFFFC000  }
0xb3: {  	_ =	sfence.sel $0x180000  }
0xb4: {  	[bflag:$0x0] =	sbarrier.arrive $0xFFFF  }
0xb5: {  	p0 =	sne.s32 s0, $0x0;
	_ =	strace $0x90000047  }
0xb6: {  	s0 =	sadd.s32 @!p0 $0x100000, s1;
	[bflag:$0x2] =	sbarrier.arrive $0xFFFF  }
0xb7: {  	[sflag:s0] =	ssyncadd.tile.s32 @!p0 $0x1;
	_ =	shalt  }
.Lfunc_end2:
_tile_overlayer_lowered:
.L_overlay_start_2:
0xb8: {  	(tag) =	ssettag $0x2  }
0xb9: {  	s0 =	rddreg [dreg:$0x0];
	s2 =	stileid.u32  }
0xba: {  	s1 =	rddreg [dreg:$0x1];
	p0 =	sne.s32 s2, $0x0  }
0xbb: {  	s3 =	rddreg [dreg:$0x2];
	[bflag:$0x3] =	sbarrier.arrive $0xFFFF;
	s2 =	simm.s32 @!p0 $0x1C02  }
0xbc: {  	[timem:s3], [sflag:s2] =	dma.local @!p0 [hbm:s0], s1  }
0xbd: {  	s0 =	simm.s32 @!p0 $0x2  }
0xbe: {  	_ =	swait.ge @!p0 [sflag:s0], s1  }
0xbf: {  	s1 =	ssub.s32 @!p0 $0x0, s1;
	[sflag:s0] =	ssyncset.done @!p0 $0x0  }
0xc0: {  	[sflag:s0] =	ssyncadd.s32 @!p0 s1  }
0xc1: {  	[bflag:$0x3] =	sbarrier.arrive $0xFFFF  }
0xc2: {  	_ =	shalt  }

// kernel: kernel.7.cloned.1.call-start
scs
__scs_entry_jumppad:
0x0: {  	(pc) =	sbr.rel $0x88, $3  }
0x1: {  	(tag) =	ssettag $0x0;
	lr =	simm.s32 $0x1  }
0x2: {  	[smem:$0x3F93] =	sst lr;
	_ =	strace $0xD0000000  }
0x3: {  	_ = 	snop  }
0x4: {  	_ = 	snop  }
0x5: {  	_ = 	snop  }
0x6: {  	_ = 	snop  }
0x7: {  	_ = 	snop  }
__scs_overlays_trampoline_lowered:
0x8: {  	[smem:$0x3FA2] =	sst s0  }
0x9: {  	[smem:$0x3FA3] =	sst s1  }
0xa: {  	[smem:$0x3FA4] =	sst s2  }
0xb: {  	[smem:$0x3FA5] =	sst s3  }
0xc: {  	[smem:$0x3FA6] =	sst s4  }
0xd: {  	[smem:$0x3FA7] =	sst s5  }
0xe: {  	[smem:$0x3FA8] =	sst s6  }
0xf: {  	[smem:$0x3FA9] =	sst s7  }
0x10: {  	[smem:$0x3FAA] =	sst s8  }
0x11: {  	[smem:$0x3FAB] =	sst s9;
	s0 =	simm.s32 @!p0 $0x0  }
0x12: {  	s1 =	sld [smem:$0x3F91];
	s0 =	simm.s32 @p0 $0x1  }
0x13: {  	[smem:$0x3FAC] =	sst s0;
	s0 =	simm.s32 @!p1 $0x0  }
0x14: {  	s2 =	sld [smem:$0x3F90];
	s0 =	simm.s32 @p1 $0x1  }
0x15: {  	[smem:$0x3FAD] =	sst s0;
	s0 =	simm.s32 @!p2 $0x0  }
0x16: {  	s3 =	sld [smem:$0x3FDB];
	s0 =	simm.s32 @p2 $0x1  }
0x17: {  	s4 =	simm.s32 $0x1BF5;
	[smem:$0x3FAF] =	sst s0  }
0x18: {  	s0 =	sld [smem:$0x3F92];
	_ =	swait.ge [sflag:s4], $0x0  }
0x19: {  	s7 =	sld [smem:$0x3F93]  }
0x1a: {  	s8 =	sadd.s32 $0xFFFFE003, lr  }
0x1b: {  	s9 =	sadd.s32 $0xFFFFFEF7, lr;
	s5 =	simm.s32 $0xFFFFFFFF;
	p2 =	slt.u32 s8, $0xFFFFF086  }
0x1c: {  	p1 =	slt.u32 s9, $0xF7A;
	s5 =	simm.s32 @!p2 $0x0  }
0x1d: {  	s5 =	simm.s32 @p1 $0x1;
	p0 =	seq.s32 s7, s2  }
0x1e: {  	s7 =	smul.u32 @!p0 $0xF7A, s2;
	p2 =	seq.s32 @!p0 s5, $0x0  }
0x1f: {  	s9 =	smul.u32 $0xF7A, s1;
	s8 =	simm.s32 @!p0 $0x1BF5;
	p2 =	por !p2, p0  }
0x20: {  	[sflag:s8] =	ssyncset.s32 @!p0 $0xFFFFF086;
	s6 =	sadd.s32 @!p0 s3, s7;
	s7 =	simm.s32 @!p0 $0x108  }
0x21: {  	s3 =	sadd.s32 s3, s9;
	s6 =	sadd.s32 @!p0 $0x88, s6;
	s7 =	simm.s32 @p2 $0x1082  }
0x22: {  	[simem:s7], [sflag:s8] =	dma.local @!p0 [hbm:s6], $0xF7A  }
0x23: {  	s9 =	sor.u32 $0xD0000000, s2;
	s6 =	simm.s32 $0x108;
	_ =	swait.ge @!p0 [sflag:s8], $0x0  }
0x24: {  	s3 =	sadd.s32 $0x88, s3;
	s6 =	simm.s32 @!p1 $0x1082;
	[sflag:s4] =	ssyncset.s32 $0xFFFFF086  }
0x25: {  	[simem:s6], [sflag:s4] =	dma.local [hbm:s3], $0xF7A  }
0x26: {  	[smem:$0x3F93] =	sst s1;
	(tag) =	ssettag s2;
	_ =	strace s9  }
0x27: {  	s1 =	sld [smem:$0x3FA3]  }
0x28: {  	s2 =	sld [smem:$0x3FA4]  }
0x29: {  	s4 =	sld [smem:$0x3FA6]  }
0x2a: {  	p0 =	seq.s32 s5, $0x0;
	s5 =	sld [smem:$0x3FA7]  }
0x2b: {  	s6 =	sld [smem:$0x3FA8]  }
0x2c: {  	s7 =	sld [smem:$0x3FA9]  }
0x2d: {  	s3 =	simm.s32 $0x108;
	s8 =	sld [smem:$0x3FAA]  }
0x2e: {  	s3 =	simm.s32 @!p0 $0x1082;
	s9 =	sld [smem:$0x3FAB]  }
0x2f: {  	lr =	sadd.s32 s0, s3;
	s0 =	sld [smem:$0x3FA2]  }
0x30: {  	s3 =	sld [smem:$0x3FA5]  }
0x31: {  	[smem:$0x3FAE] =	sst s10  }
0x32: {  	s10 =	sld [smem:$0x3FAC];
	_ =	sdelay $0x3  }
0x33: {  	p0 =	seq.s32 s10, $0x1;
	s10 =	sld [smem:$0x3FAE];
	_ =	sdelay $0x3  }
0x34: {  	[smem:$0x3FAE] =	sst s10  }
0x35: {  	s10 =	sld [smem:$0x3FAD];
	_ =	sdelay $0x3  }
0x36: {  	p1 =	seq.s32 s10, $0x1;
	s10 =	sld [smem:$0x3FAE];
	_ =	sdelay $0x3  }
0x37: {  	[smem:$0x3FAE] =	sst s10  }
0x38: {  	s10 =	sld [smem:$0x3FAF]  }
0x39: {  	_ = 	snop;
	(pc) =	sbr.ind lr, $3  }
0x3a: {  	_ = 	snop  }
0x3b: {  	_ = 	snop  }
0x3c: {  	p2 =	seq.s32 s10, $0x1;
	s10 =	sld [smem:$0x3FAE]  }
0x3d: {  	_ =	shalt  }
0x3e: {  	_ =	shalt  }
0x3f: {  	_ =	shalt  }
0x40: {  	_ =	shalt  }
0x41: {  	_ =	shalt  }
0x42: {  	_ =	shalt  }
0x43: {  	_ =	shalt  }
0x44: {  	_ =	shalt  }
0x45: {  	_ =	shalt  }
0x46: {  	_ =	shalt  }
0x47: {  	_ =	shalt  }
0x48: {  	_ =	shalt  }
0x49: {  	_ =	shalt  }
0x4a: {  	_ =	shalt  }
0x4b: {  	_ =	shalt  }
0x4c: {  	_ =	shalt  }
0x4d: {  	_ =	shalt  }
0x4e: {  	_ =	shalt  }
0x4f: {  	_ =	shalt  }
0x50: {  	_ =	shalt  }
0x51: {  	_ =	shalt  }
0x52: {  	_ =	shalt  }
0x53: {  	_ =	shalt  }
0x54: {  	_ =	shalt  }
0x55: {  	_ =	shalt  }
0x56: {  	_ =	shalt  }
0x57: {  	_ =	shalt  }
0x58: {  	_ =	shalt  }
0x59: {  	_ =	shalt  }
0x5a: {  	_ =	shalt  }
0x5b: {  	_ =	shalt  }
0x5c: {  	_ =	shalt  }
0x5d: {  	_ =	shalt  }
0x5e: {  	_ =	shalt  }
0x5f: {  	_ =	shalt  }
0x60: {  	_ =	shalt  }
0x61: {  	_ =	shalt  }
0x62: {  	_ =	shalt  }
0x63: {  	_ =	shalt  }
0x64: {  	_ =	shalt  }
0x65: {  	_ =	shalt  }
0x66: {  	_ =	shalt  }
0x67: {  	_ =	shalt  }
0x68: {  	_ =	shalt  }
0x69: {  	_ =	shalt  }
0x6a: {  	_ =	shalt  }
0x6b: {  	_ =	shalt  }
0x6c: {  	_ =	shalt  }
0x6d: {  	_ =	shalt  }
0x6e: {  	_ =	shalt  }
0x6f: {  	_ =	shalt  }
0x70: {  	_ =	shalt  }
0x71: {  	_ =	shalt  }
0x72: {  	_ =	shalt  }
0x73: {  	_ =	shalt  }
0x74: {  	_ =	shalt  }
0x75: {  	_ =	shalt  }
0x76: {  	_ =	shalt  }
0x77: {  	_ =	shalt  }
0x78: {  	_ =	shalt  }
0x79: {  	_ =	shalt  }
0x7a: {  	_ =	shalt  }
0x7b: {  	_ =	shalt  }
0x7c: {  	_ =	shalt  }
0x7d: {  	_ =	shalt  }
0x7e: {  	_ =	shalt  }
0x7f: {  	_ =	shalt  }
0x80: {  	_ =	shalt  }
0x81: {  	_ =	shalt  }
0x82: {  	_ =	shalt  }
0x83: {  	_ =	shalt  }
0x84: {  	_ =	shalt  }
0x85: {  	_ =	shalt  }
0x86: {  	_ =	shalt  }
0x87: {  	_ =	shalt  }
.Lfunc_end0:
.L_simem_size_0:
called_computation_lowered:
.L_overlay_start_0:
0x88: {  	s2 =	sld [smem:$0x3FD9]  }
0x89: {  	s3 =	sld [smem:$0x3FFE];
	_ =	sdelay $0x1  }
0x8a: {  	s1 =	srdreg.scid  }
0x8b: {  	s0 =	sand.u32 $0x1, s1  }
0x8c: {  	s17 =	sshll.u32 s0, $0xA;
	s2 =	sadd.s32 s3, s2  }
0x8d: {  	s2 =	sadd.s32 s2, s17  }
0x8e: {  	[smem:$0x3FBA] =	sst s2  }
0x8f: {  	_ = 	snop  }
0x90: {  	s18 =	sld [smem:$0x3FD0];
	(tm) =	ssettm $0x1  }
0x91: {  	s19 =	sld [smem:$0x3FFB];
	_ =	sdelay $0x3  }
0x92: {  	_ =	strace s19  }
0x93: {  	s2 =	sld [smem:$0x3FFC];
	_ =	sdelay $0x3  }
0x94: {  	_ =	strace s2  }
0x95: {  	s2 =	sld [smem:$0x3FFD];
	_ =	sdelay $0x3  }
0x96: {  	_ =	strace s2  }
0x97: {  	_ =	strace $0x8FFFFFFF  }
0x98: {  	s20 =	sld [smem:$0x3FDB];
	_ =	sdelay $0x1  }
0x99: {  	s4 =	simm.s32 $_scs_section_size  }
0x9a: {  	s5 =	simm.s32 $_size__tile_overlayer_lowered;
	s6 =	simm.s32 $_tile_overlayer_lowered  }
0x9b: {  	s7 =	simm.s32 $0x1BFF;
	s21 =	sshll.u32 s6, $0x1;
	s4 =	sadd.s32 s4, s20  }
0x9c: {  	s22 =	simm.s32 $0x0;
	s5 =	sshll.u32 s5, $0x1;
	s6 =	sadd.s32 s21, s4  }
0x9d: {  	[timem:s22], [sflag:s7] =	dma.local [hbm:s6], s5  }
0x9e: {  	_ =	swait.ge [sflag:s7], s5  }
0x9f: {  	s5 =	ssub.s32 $0x0, s5;
	[sflag:s7] =	ssyncset.done $0x0  }
0xa0: {  	[sflag:s7] =	ssyncadd.s32 s5;
	_ =	sdelay $0x1  }
0xa1: {  	s23 =	simm.s32 $0x1B8B  }
0xa2: {  	_ =	swait.ge [sflag:s23], $0x1  }
0xa3: {  	[sflag:s23] =	ssyncset.done $0x0  }
0xa4: {  	[sflag:s23] =	ssyncadd.s32 $0xFFFFFFFF  }
0xa5: {  	s5 =	sld [smem:$0x0]  }
0xa6: {  	s6 =	sand.u32 $0xFFFFFFFE, s1  }
0xa7: {  	p0 =	sne.s32 s1, s6  }
0xa8: {  	s6 =	sshll.u32 @p0 s6, $0xE  }
0xa9: {  	s6 =	sadd.s32 @p0 $0x11B8D, s6;
	s7 =	sshll.u32 @p0 s5, $0x11  }
0xaa: {  	s6 =	sor.u32 @p0 s7, s6  }
0xab: {  	[sflag:s6] =	ssyncadd.remote.s32 @p0 $0x1;
	_ =	sdelay $0x1  }
0xac: {  	s6 =	simm.s32 @p0 $0x1B8D  }
0xad: {  	_ =	swait.eq @p0 [sflag:s6], $0x1  }
0xae: {  	[sflag:s6] =	ssyncadd.s32 @p0 $0xFFFFFFFF  }
0xaf: {  	s7 =	sshll.u32 @!p0 s1, $0xE  }
0xb0: {  	s7 =	sor.u32 @!p0 $0x4000, s7;
	s6 =	simm.s32 @!p0 $0x1B8D  }
0xb1: {  	s5 =	sshll.u32 @!p0 s5, $0x11;
	s7 =	sadd.s32 @!p0 $0x11B8D, s7;
	_ =	swait.eq @!p0 [sflag:s6], $0x1  }
0xb2: {  	s5 =	sor.u32 @!p0 s5, s7;
	[sflag:s6] =	ssyncadd.s32 @!p0 $0xFFFFFFFF  }
0xb3: {  	s25 =	simm.s32 $0x1B8E;
	s24 =	sld [smem:$0x3FFE];
	[sflag:s5] =	ssyncadd.remote.s32 @!p0 $0x1  }
0xb4: {  	s26 =	simm.s32 $execute0_lowered;
	[smem:$0x3FD2] =	sst s25  }
0xb5: {  	s6 =	sshll.u32 s26, $0x1;
	_ =	strace $0x80000049;
	[dreg:$0x1] =	wrdreg $0xFFFFFFFF  }
0xb6: {  	s28 =	simm.s32 $_size_execute0_lowered;
	s4 =	sadd.s32 s4, s6;
	[dreg:$0x0] =	wrdreg $0x0  }
0xb7: {  	s6 =	sshll.u32 s28, $0x1;
	[dreg:$0x2] =	wrdreg s4  }
0xb8: {  	[dreg:$0x3] =	wrdreg s6  }
0xb9: {  	[dreg:$0x4] =	wrdreg $0xC0  }
0xba: {  	_ =	task [dreg:s22], $0x5FFFF  }
0xbb: {  	[dreg:$0x1] =	wrdreg $0xFFFFFFFF  }
0xbc: {  	[dreg:$0x0] =	wrdreg $0x60  }
0xbd: {  	[dreg:$0x2] =	wrdreg s24  }
0xbe: {  	[dreg:$0x3] =	wrdreg s18  }
0xbf: {  	[dreg:$0x4] =	wrdreg $0x9  }
0xc0: {  	_ =	task.clear_ibuf [dreg:s22], $0x5FFFF;
	_ =	strace $0x90000049  }
0xc1: {  	s29 =	simm.s32 $0x9;
	_ =	strace $0x8000004B  }
0xc2: {  	_ =	swait.ge [sflag:s29], $0x1  }
0xc3: {  	[sflag:s29] =	ssyncadd.s32 $0xFFFFFFFF  }
0xc4: {  	_ =	strace $0x9000004B  }
0xc5: {  	_ =	sfence  }
0xc6: {  	s30 =	sld [smem:$0x0];
	_ =	sdelay $0x2  }
0xc7: {  	s31 =	sshll.u32 s1, $0xD;
	s1 =	sshrl.u32 s1, $0x2  }
0xc8: {  	s4 =	sand.u32 $0x4000, s31;
	s1 =	sadd.s32 s1, s30  }
0xc9: {  	s0 =	sor.u32 s4, s0;
	s1 =	sshll.u32 s1, $0x11  }
0xca: {  	s0 =	sor.u32 s1, s0  }
0xcb: {  	s0 =	sadd.s32 $0x8F2B, s0  }
0xcc: {  	[sflag:s0] =	ssyncadd.remote.s32 $0x1  }
0xcd: {  	_ =	sfence.sel $0xFFFF  }
0xce: {  	[dreg:$0x0] =	wrdreg $0xFFFFFFFF;
	(pc) =	sbr.abs _section_cstart, $3  }
0xcf: {  	[dreg:$0x1] =	wrdreg $0xFFFFFFFF  }
0xd0: {  	_ =	task.clear_ibuf [dreg:s22], $0x2FFFF;
	_ =	strace $0x9FFFFFFF  }
0xd1: {  	(tm) =	ssettm $0x7FFFFFFF  }
tec
execute0_lowered:
.L_overlay_start_1:
0x0: {  	(tag) =	ssettag $0x1  }
0x1: {  	s1 =	srdreg.scid  }
0x2: {  	s19 =	rddreg [dreg:$0x0];
	s0 =	stileid.u32;
	s24 =	sand.u32 $0x1, s1  }
0x3: {  	s21 =	rddreg [dreg:$0x1];
	s3 =	sshll.u32 s0, $0x9;
	s4 =	sshll.u32 s24, $0x8  }
0x4: {  	s2 =	simm.s32 $0x0;
	s1 =	rddreg [dreg:$0x2];
	s22 =	sor.u32 s4, s3  }
0x5: {  	[smem:$0x7FF] =	sst s2;
	s20 =	sadd.s32 $0x1D200, s19;
	s5 =	sshrl.u32 s22, $0x3  }
0x6: {  	_ =	strace $0x8000004A;
	s3 =	simm.s32 $0x2;
	s4 =	sadd.s32 s20, s5  }
0x7: {  	[tilespmem:s2], [sflag:$0x2] =	stream.linear.gather [hbm4b:s4+s2], $0x80, $0x38;
	[tilespmem:$0x10100] =	vst v63  }
0x8: {  	_ =	swait.ge [sflag:s3], $0x80  }
0x9: {  	[sflag:s3] =	ssyncset.done $0x0  }
0xa: {  	s6 =	simm.s32 $0x80;
	s5 =	sadd.s32 s21, s5;
	[sflag:s3] =	ssyncadd.s32 $0xFFFFFF80  }
0xb: {  	[tilespmem:s6], [sflag:$0x2] =	stream.linear.gather [hbm4b:s5+s2], $0x80, $0x38;
	[tilespmem:$0x10100] =	vst v63  }
0xc: {  	_ =	swait.ge [sflag:s3], $0x80  }
0xd: {  	[sflag:s3] =	ssyncset.done $0x0  }
0xe: {  	s8 =	simm.s32 $0x100;
	s7 =	sadd.s32 $0x4600, s19;
	[sflag:s3] =	ssyncadd.s32 $0xFFFFFF80  }
0xf: {  	[tilespmem:s8], [sflag:$0x1] =	stream.indirect.gather [hbm4b:s7+s6], $0x80, s2, s6, $0xb8;
	[tilespmem:$0x10100] =	vst v63  }
0x10: {  	s10 =	simm.s32 $0x4100;
	s9 =	sadd.s32 $0x34400, s19  }
0x11: {  	[tilespmem:s10], [sflag:$0x1] =	stream.indirect.gather [hbm4b:s9+s6], $0x80, s2, s6, $0xb8;
	[tilespmem:$0x10100] =	vst v63  }
0x12: {  	s12 =	simm.s32 $0x8100;
	s11 =	sadd.s32 $0x5C00, s19  }
0x13: {  	[tilespmem:s12], [sflag:$0x1] =	stream.indirect.gather [hbm4b:s11+s6], $0x80, s6, s6, $0xb8;
	[tilespmem:$0x10100] =	vst v63  }
0x14: {  	s14 =	simm.s32 $0xC100;
	s15 =	simm.s32 $0x1;
	s13 =	sadd.s32 $0x1D600, s19  }
0x15: {  	[tilespmem:s14], [sflag:$0x1] =	stream.indirect.gather [hbm4b:s13+s6], $0x80, s6, s6, $0xb8;
	[tilespmem:$0x10100] =	vst v63  }
0x16: {  	_ =	swait.ge [sflag:s15], $0x4000  }
0x17: {  	[sflag:s15] =	ssyncset.done $0x0  }
0x18: {  	[sflag:s15] =	ssyncadd.s32 $0xFFFFC000  }
0x19: {  	_ =	swait.ge [sflag:s15], $0x4000  }
0x1a: {  	[sflag:s15] =	ssyncset.done $0x0  }
0x1b: {  	[sflag:s15] =	ssyncadd.s32 $0xFFFFC000  }
0x1c: {  	_ =	swait.ge [sflag:s15], $0x4000  }
0x1d: {  	[sflag:s15] =	ssyncset.done $0x0  }
0x1e: {  	[sflag:s15] =	ssyncadd.s32 $0xFFFFC000  }
0x1f: {  	_ =	swait.ge [sflag:s15], $0x4000  }
0x20: {  	s23 =	sadd.s32 $0xB5E00, s19;
	s25 =	sshll.u32 s22, $0x4;
	[sflag:s15] =	ssyncset.done $0x0  }
0x21: {  	s16 =	sadd.s32 s23, s25;
	[sflag:s15] =	ssyncadd.s32 $0xFFFFC000  }
0x22: {  	[hbm4b:s16+s2] =	stream.linear.scatter [tilespmem:s8], [sflag:$0x2], $0x4000, $0x38;
	[tilespmem:$0x10100] =	vst v63  }
0x23: {  	_ =	swait.ge [sflag:s3], $0x4000  }
0x24: {  	s26 =	sadd.s32 $0xD5E00, s19;
	[sflag:s3] =	ssyncset.done $0x0  }
0x25: {  	s17 =	sadd.s32 s26, s25;
	[sflag:s3] =	ssyncadd.s32 $0xFFFFC000  }
0x26: {  	[hbm4b:s17+s2] =	stream.linear.scatter [tilespmem:s10], [sflag:$0x2], $0x4000, $0x38;
	[tilespmem:$0x10100] =	vst v63  }
0x27: {  	_ =	swait.ge [sflag:s3], $0x4000  }
0x28: {  	s28 =	sadd.s32 $0xF5E00, s19;
	[sflag:s3] =	ssyncset.done $0x0  }
0x29: {  	s18 =	sadd.s32 s28, s25;
	[sflag:s3] =	ssyncadd.s32 $0xFFFFC000  }
0x2a: {  	[hbm4b:s18+s2] =	stream.linear.scatter [tilespmem:s12], [sflag:$0x2], $0x4000, $0x38;
	[tilespmem:$0x10100] =	vst v63  }
0x2b: {  	_ =	swait.ge [sflag:s3], $0x4000  }
0x2c: {  	s29 =	sadd.s32 $0x115E00, s19;
	[sflag:s3] =	ssyncset.done $0x0  }
0x2d: {  	s19 =	sadd.s32 s29, s25;
	[sflag:s3] =	ssyncadd.s32 $0xFFFFC000  }
0x2e: {  	[hbm4b:s19+s2] =	stream.linear.scatter [tilespmem:s14], [sflag:$0x2], $0x4000, $0x38;
	[tilespmem:$0x10100] =	vst v63  }
0x2f: {  	s22 =	sor.u32 $0x80, s22;
	_ =	swait.ge [sflag:s3], $0x4000  }
0x30: {  	s31 =	sshrl.u32 s22, $0x3;
	[sflag:s3] =	ssyncset.done $0x0  }
0x31: {  	s20 =	sadd.s32 s20, s31;
	[sflag:s3] =	ssyncadd.s32 $0xFFFFC000  }
0x32: {  	[tilespmem:s2], [sflag:$0x2] =	stream.linear.gather [hbm4b:s20+s2], $0x80, $0x38;
	[tilespmem:$0x10100] =	vst v63  }
0x33: {  	_ =	swait.ge [sflag:s3], $0x80  }
0x34: {  	[sflag:s3] =	ssyncset.done $0x0  }
0x35: {  	s21 =	sadd.s32 s21, s31;
	[sflag:s3] =	ssyncadd.s32 $0xFFFFFF80  }
0x36: {  	[tilespmem:s6], [sflag:$0x2] =	stream.linear.gather [hbm4b:s21+s2], $0x80, $0x38;
	[tilespmem:$0x10100] =	vst v63  }
0x37: {  	_ =	swait.ge [sflag:s3], $0x80  }
0x38: {  	[sflag:s3] =	ssyncset.done $0x0  }
0x39: {  	[sflag:s3] =	ssyncadd.s32 $0xFFFFFF80  }
0x3a: {  	[tilespmem:s8], [sflag:$0x1] =	stream.indirect.gather [hbm4b:s7+s6], $0x80, s2, s6, $0xb8;
	[tilespmem:$0x10100] =	vst v63  }
0x3b: {  	_ = 	snop  }
0x3c: {  	[tilespmem:s10], [sflag:$0x1] =	stream.indirect.gather [hbm4b:s9+s6], $0x80, s2, s6, $0xb8;
	[tilespmem:$0x10100] =	vst v63  }
0x3d: {  	_ = 	snop  }
0x3e: {  	[tilespmem:s12], [sflag:$0x1] =	stream.indirect.gather [hbm4b:s11+s6], $0x80, s6, s6, $0xb8;
	[tilespmem:$0x10100] =	vst v63  }
0x3f: {  	_ = 	snop  }
0x40: {  	[tilespmem:s14], [sflag:$0x1] =	stream.indirect.gather [hbm4b:s13+s6], $0x80, s6, s6, $0xb8;
	[tilespmem:$0x10100] =	vst v63  }
0x41: {  	_ =	swait.ge [sflag:s15], $0x4000  }
0x42: {  	[sflag:s15] =	ssyncset.done $0x0  }
0x43: {  	[sflag:s15] =	ssyncadd.s32 $0xFFFFC000  }
0x44: {  	_ =	swait.ge [sflag:s15], $0x4000  }
0x45: {  	[sflag:s15] =	ssyncset.done $0x0  }
0x46: {  	[sflag:s15] =	ssyncadd.s32 $0xFFFFC000  }
0x47: {  	_ =	swait.ge [sflag:s15], $0x4000  }
0x48: {  	[sflag:s15] =	ssyncset.done $0x0  }
0x49: {  	[sflag:s15] =	ssyncadd.s32 $0xFFFFC000  }
0x4a: {  	_ =	swait.ge [sflag:s15], $0x4000  }
0x4b: {  	s25 =	sshll.u32 s22, $0x4;
	[sflag:s15] =	ssyncset.done $0x0  }
0x4c: {  	s22 =	sadd.s32 s23, s25;
	[sflag:s15] =	ssyncadd.s32 $0xFFFFC000  }
0x4d: {  	[hbm4b:s22+s2] =	stream.linear.scatter [tilespmem:s8], [sflag:$0x2], $0x4000, $0x38;
	[tilespmem:$0x10100] =	vst v63  }
0x4e: {  	_ =	swait.ge [sflag:s3], $0x4000  }
0x4f: {  	[sflag:s3] =	ssyncset.done $0x0  }
0x50: {  	s30 =	ssub.s32 $0x2, s24;
	s23 =	sadd.s32 s26, s25;
	[sflag:s3] =	ssyncadd.s32 $0xFFFFC000  }
0x51: {  	[hbm4b:s23+s2] =	stream.linear.scatter [tilespmem:s10], [sflag:$0x2], $0x4000, $0x38;
	[tilespmem:$0x10100] =	vst v63  }
0x52: {  	s31 =	sshrl.u32 s30, $0x1;
	_ =	swait.ge [sflag:s3], $0x4000  }
0x53: {  	s26 =	ssub.s32 s30, s31;
	[sflag:s3] =	ssyncset.done $0x0  }
0x54: {  	s24 =	sadd.s32 s28, s25;
	s26 =	smax.u32 s26, $0x1;
	[sflag:s3] =	ssyncadd.s32 $0xFFFFC000  }
0x55: {  	[hbm4b:s24+s2] =	stream.linear.scatter [tilespmem:s12], [sflag:$0x2], $0x4000, $0x38;
	[tilespmem:$0x10100] =	vst v63  }
0x56: {  	p0 =	sne.s32 s26, $0x1;
	_ =	swait.ge [sflag:s3], $0x4000  }
.Ltmp0:
0x57: {  	[sflag:s3] =	ssyncset.done $0x0;
	(pc) =	sbr.rel @!p0 .LBB2_2-.Ltmp0, $4  }
0x58: {  	s25 =	sadd.s32 s29, s25;
	[sflag:s3] =	ssyncadd.s32 $0xFFFFC000  }
0x59: {  	[hbm4b:s25+s2] =	stream.linear.scatter [tilespmem:s14], [sflag:$0x2], $0x4000, $0x38;
	[tilespmem:$0x10100] =	vst v63  }
0x5a: {  	_ =	swait.ge [sflag:s3], $0x4000  }
0x5b: {  	s26 =	sadd.s32 $0xFFFFFFFF, s26;
	[sflag:s3] =	ssyncset.done $0x0  }
.LBB2_1:
0x5c: {  	p0 =	sne.s32 s26, $0x1;
	s26 =	sadd.s32 $0xFFFFFFFF, s26;
	[sflag:s3] =	ssyncadd.s32 $0xFFFFC000  }
0x5d: {  	[tilespmem:s2], [sflag:$0x2] =	stream.linear.gather [hbm4b:s4+s2], $0x80, $0x38;
	[tilespmem:$0x10100] =	vst v63  }
0x5e: {  	_ =	swait.ge [sflag:s3], $0x80  }
0x5f: {  	[sflag:s3] =	ssyncset.done $0x0  }
0x60: {  	[sflag:s3] =	ssyncadd.s32 $0xFFFFFF80  }
0x61: {  	[tilespmem:s6], [sflag:$0x2] =	stream.linear.gather [hbm4b:s5+s2], $0x80, $0x38;
	[tilespmem:$0x10100] =	vst v63  }
0x62: {  	_ =	swait.ge [sflag:s3], $0x80  }
0x63: {  	[sflag:s3] =	ssyncset.done $0x0  }
0x64: {  	[sflag:s3] =	ssyncadd.s32 $0xFFFFFF80  }
0x65: {  	[tilespmem:s8], [sflag:$0x1] =	stream.indirect.gather [hbm4b:s7+s6], $0x80, s2, s6, $0xb8;
	[tilespmem:$0x10100] =	vst v63  }
0x66: {  	_ = 	snop  }
0x67: {  	[tilespmem:s10], [sflag:$0x1] =	stream.indirect.gather [hbm4b:s9+s6], $0x80, s2, s6, $0xb8;
	[tilespmem:$0x10100] =	vst v63  }
0x68: {  	_ = 	snop  }
0x69: {  	[tilespmem:s12], [sflag:$0x1] =	stream.indirect.gather [hbm4b:s11+s6], $0x80, s6, s6, $0xb8;
	[tilespmem:$0x10100] =	vst v63  }
0x6a: {  	_ = 	snop  }
0x6b: {  	[tilespmem:s14], [sflag:$0x1] =	stream.indirect.gather [hbm4b:s13+s6], $0x80, s6, s6, $0xb8;
	[tilespmem:$0x10100] =	vst v63  }
0x6c: {  	_ =	swait.ge [sflag:s15], $0x4000  }
0x6d: {  	[sflag:s15] =	ssyncset.done $0x0  }
0x6e: {  	[sflag:s15] =	ssyncadd.s32 $0xFFFFC000  }
0x6f: {  	_ =	swait.ge [sflag:s15], $0x4000  }
0x70: {  	[sflag:s15] =	ssyncset.done $0x0  }
0x71: {  	[sflag:s15] =	ssyncadd.s32 $0xFFFFC000  }
0x72: {  	_ =	swait.ge [sflag:s15], $0x4000  }
0x73: {  	[sflag:s15] =	ssyncset.done $0x0  }
0x74: {  	[sflag:s15] =	ssyncadd.s32 $0xFFFFC000  }
0x75: {  	_ =	swait.ge [sflag:s15], $0x4000  }
0x76: {  	[sflag:s15] =	ssyncset.done $0x0  }
0x77: {  	[sflag:s15] =	ssyncadd.s32 $0xFFFFC000  }
0x78: {  	[hbm4b:s16+s2] =	stream.linear.scatter [tilespmem:s8], [sflag:$0x2], $0x4000, $0x38;
	[tilespmem:$0x10100] =	vst v63  }
0x79: {  	_ =	swait.ge [sflag:s3], $0x4000  }
0x7a: {  	[sflag:s3] =	ssyncset.done $0x0  }
0x7b: {  	[sflag:s3] =	ssyncadd.s32 $0xFFFFC000  }
0x7c: {  	[hbm4b:s17+s2] =	stream.linear.scatter [tilespmem:s10], [sflag:$0x2], $0x4000, $0x38;
	[tilespmem:$0x10100] =	vst v63  }
0x7d: {  	_ =	swait.ge [sflag:s3], $0x4000  }
0x7e: {  	[sflag:s3] =	ssyncset.done $0x0  }
0x7f: {  	[sflag:s3] =	ssyncadd.s32 $0xFFFFC000  }
0x80: {  	[hbm4b:s18+s2] =	stream.linear.scatter [tilespmem:s12], [sflag:$0x2], $0x4000, $0x38;
	[tilespmem:$0x10100] =	vst v63  }
0x81: {  	_ =	swait.ge [sflag:s3], $0x4000  }
0x82: {  	[sflag:s3] =	ssyncset.done $0x0  }
0x83: {  	[sflag:s3] =	ssyncadd.s32 $0xFFFFC000  }
0x84: {  	[hbm4b:s19+s2] =	stream.linear.scatter [tilespmem:s14], [sflag:$0x2], $0x4000, $0x38;
	[tilespmem:$0x10100] =	vst v63  }
0x85: {  	_ =	swait.ge [sflag:s3], $0x4000  }
0x86: {  	[sflag:s3] =	ssyncset.done $0x0  }
0x87: {  	[sflag:s3] =	ssyncadd.s32 $0xFFFFC000  }
0x88: {  	[tilespmem:s2], [sflag:$0x2] =	stream.linear.gather [hbm4b:s20+s2], $0x80, $0x38;
	[tilespmem:$0x10100] =	vst v63  }
0x89: {  	_ =	swait.ge [sflag:s3], $0x80  }
0x8a: {  	[sflag:s3] =	ssyncset.done $0x0  }
0x8b: {  	[sflag:s3] =	ssyncadd.s32 $0xFFFFFF80  }
0x8c: {  	[tilespmem:s6], [sflag:$0x2] =	stream.linear.gather [hbm4b:s21+s2], $0x80, $0x38;
	[tilespmem:$0x10100] =	vst v63  }
0x8d: {  	_ =	swait.ge [sflag:s3], $0x80  }
0x8e: {  	[sflag:s3] =	ssyncset.done $0x0  }
0x8f: {  	[sflag:s3] =	ssyncadd.s32 $0xFFFFFF80  }
0x90: {  	[tilespmem:s8], [sflag:$0x1] =	stream.indirect.gather [hbm4b:s7+s6], $0x80, s2, s6, $0xb8;
	[tilespmem:$0x10100] =	vst v63  }
0x91: {  	_ = 	snop  }
0x92: {  	[tilespmem:s10], [sflag:$0x1] =	stream.indirect.gather [hbm4b:s9+s6], $0x80, s2, s6, $0xb8;
	[tilespmem:$0x10100] =	vst v63  }
0x93: {  	_ = 	snop  }
0x94: {  	[tilespmem:s12], [sflag:$0x1] =	stream.indirect.gather [hbm4b:s11+s6], $0x80, s6, s6, $0xb8;
	[tilespmem:$0x10100] =	vst v63  }
0x95: {  	_ = 	snop  }
0x96: {  	[tilespmem:s14], [sflag:$0x1] =	stream.indirect.gather [hbm4b:s13+s6], $0x80, s6, s6, $0xb8;
	[tilespmem:$0x10100] =	vst v63  }
0x97: {  	_ =	swait.ge [sflag:s15], $0x4000  }
0x98: {  	[sflag:s15] =	ssyncset.done $0x0  }
0x99: {  	[sflag:s15] =	ssyncadd.s32 $0xFFFFC000  }
0x9a: {  	_ =	swait.ge [sflag:s15], $0x4000  }
0x9b: {  	[sflag:s15] =	ssyncset.done $0x0  }
0x9c: {  	[sflag:s15] =	ssyncadd.s32 $0xFFFFC000  }
0x9d: {  	_ =	swait.ge [sflag:s15], $0x4000  }
0x9e: {  	[sflag:s15] =	ssyncset.done $0x0  }
0x9f: {  	[sflag:s15] =	ssyncadd.s32 $0xFFFFC000  }
0xa0: {  	_ =	swait.ge [sflag:s15], $0x4000  }
0xa1: {  	[sflag:s15] =	ssyncset.done $0x0  }
0xa2: {  	[sflag:s15] =	ssyncadd.s32 $0xFFFFC000  }
0xa3: {  	[hbm4b:s22+s2] =	stream.linear.scatter [tilespmem:s8], [sflag:$0x2], $0x4000, $0x38;
	[tilespmem:$0x10100] =	vst v63  }
0xa4: {  	_ =	swait.ge [sflag:s3], $0x4000  }
0xa5: {  	[sflag:s3] =	ssyncset.done $0x0  }
0xa6: {  	[sflag:s3] =	ssyncadd.s32 $0xFFFFC000  }
0xa7: {  	[hbm4b:s23+s2] =	stream.linear.scatter [tilespmem:s10], [sflag:$0x2], $0x4000, $0x38;
	[tilespmem:$0x10100] =	vst v63  }
0xa8: {  	_ =	swait.ge [sflag:s3], $0x4000  }
0xa9: {  	[sflag:s3] =	ssyncset.done $0x0  }
0xaa: {  	[sflag:s3] =	ssyncadd.s32 $0xFFFFC000  }
0xab: {  	[hbm4b:s24+s2] =	stream.linear.scatter [tilespmem:s12], [sflag:$0x2], $0x4000, $0x38;
	[tilespmem:$0x10100] =	vst v63  }
0xac: {  	_ =	swait.ge [sflag:s3], $0x4000  }
.Ltmp1:
0xad: {  	[sflag:s3] =	ssyncset.done $0x0;
	(pc) =	sbr.rel @p0 .LBB2_1-.Ltmp1, $4  }
0xae: {  	[sflag:s3] =	ssyncadd.s32 $0xFFFFC000  }
0xaf: {  	[hbm4b:s25+s2] =	stream.linear.scatter [tilespmem:s14], [sflag:$0x2], $0x4000, $0x38;
	[tilespmem:$0x10100] =	vst v63  }
0xb0: {  	_ =	swait.ge [sflag:s3], $0x4000  }
0xb1: {  	[sflag:s3] =	ssyncset.done $0x0  }
.LBB2_2:
0xb2: {  	[sflag:s3] =	ssyncadd.s32 $0xFFFFC000  }
0xb3: {  	_ =	sfence.sel $0x180000  }
0xb4: {  	[bflag:$0x0] =	sbarrier.arrive $0xFFFF  }
0xb5: {  	p0 =	sne.s32 s0, $0x0;
	_ =	strace $0x9000004A  }
0xb6: {  	s0 =	sadd.s32 @!p0 $0x100000, s1;
	[bflag:$0x2] =	sbarrier.arrive $0xFFFF  }
0xb7: {  	[sflag:s0] =	ssyncadd.tile.s32 @!p0 $0x1;
	_ =	shalt  }
.Lfunc_end2:
_tile_overlayer_lowered:
.L_overlay_start_2:
0xb8: {  	(tag) =	ssettag $0x2  }
0xb9: {  	s0 =	rddreg [dreg:$0x0];
	s2 =	stileid.u32  }
0xba: {  	s1 =	rddreg [dreg:$0x1];
	p0 =	sne.s32 s2, $0x0  }
0xbb: {  	s3 =	rddreg [dreg:$0x2];
	[bflag:$0x3] =	sbarrier.arrive $0xFFFF;
	s2 =	simm.s32 @!p0 $0x1C02  }
0xbc: {  	[timem:s3], [sflag:s2] =	dma.local @!p0 [hbm:s0], s1  }
0xbd: {  	s0 =	simm.s32 @!p0 $0x2  }
0xbe: {  	_ =	swait.ge @!p0 [sflag:s0], s1  }
0xbf: {  	s1 =	ssub.s32 @!p0 $0x0, s1;
	[sflag:s0] =	ssyncset.done @!p0 $0x0  }
0xc0: {  	[sflag:s0] =	ssyncadd.s32 @!p0 s1  }
0xc1: {  	[bflag:$0x3] =	sbarrier.arrive $0xFFFF  }
0xc2: {  	_ =	shalt  }

</sc_bundles>
